<compile_context>
chip_gen: v7x
topology: tpu7x:2x2x1
jax: 0.10.2.dev20260603
libtpu: 0.0.44.dev20260713+nightly
codegen_flags: <defaults>
</compile_context>

<pallas_src>
import functools

import jax
import jax.numpy as jnp
from jax import lax
from jax.experimental import pallas as pl
from jax.experimental.pallas import tpu as pltpu
from jax.experimental.pallas import tpu_sc as plsc

N = 10000
E = 160000
D = 256
HALF = 128
NS = 16
NP = N + NS
CH = 128
EPS = E // NS
NCH = 80
PAD = NCH * CH - EPS
PH = 2
PCH = NCH // PH
RPS = NP // NS
RD = 80
RDS = RD // NS

_MESH = plsc.VectorSubcoreMesh(core_axis_name="c", subcore_axis_name="s")


@functools.partial(
    pl.kernel,
    out_type=(
        jax.ShapeDtypeStruct((NS, RD * 128), jnp.int32),
        jax.ShapeDtypeStruct((NS, RD * 128), jnp.int32),
    ),
    mesh=_MESH,
    scratch_types=[
        pltpu.VMEM((NCH, CH), jnp.int32),
        pltpu.VMEM((RD * 128,), jnp.int32),
    ],
    compiler_params=pltpu.CompilerParams(needs_layout_passes=False),
)
def _deg_kernel(src_hbm, dst_hbm, outdeg_hbm, indeg_hbm, idx_v, hist_v):
    c = lax.axis_index("c")
    s = lax.axis_index("s")

    @pl.when(c == 0)
    def _():
        pltpu.sync_copy(src_hbm.at[s], idx_v)

    @pl.when(c == 1)
    def _():
        pltpu.sync_copy(dst_hbm.at[s], idx_v)

    zeros16 = jnp.zeros((16,), jnp.int32)

    @pl.loop(0, RD * 8)
    def _(i):
        hist_v[pl.ds(i * 16, 16)] = zeros16

    ones16 = jnp.ones((16,), jnp.int32)

    @pl.loop(0, NCH)
    def _(j):
        @pl.loop(0, CH // 16)
        def _(k):
            idx16 = idx_v[j, pl.ds(k * 16, 16)]
            plsc.addupdate_scatter(hist_v, [idx16], ones16)

    @pl.when(c == 0)
    def _():
        pltpu.sync_copy(hist_v, outdeg_hbm.at[s])

    @pl.when(c == 1)
    def _():
        pltpu.sync_copy(hist_v, indeg_hbm.at[s])


def _degsum_body(op_ref, ip_ref, ns_ref, nd_ref):
    od = jnp.sum(op_ref[...], axis=0, keepdims=True).astype(jnp.float32)
    idg = jnp.sum(ip_ref[...], axis=0, keepdims=True).astype(jnp.float32)
    ns_ref[...] = lax.rsqrt(jnp.maximum(od, 1.0))
    nd_ref[...] = lax.rsqrt(jnp.maximum(idg, 1.0))


def _degsum(outp, inp):
    return pl.pallas_call(
        _degsum_body,
        out_shape=[
            jax.ShapeDtypeStruct((1, RD * 128), jnp.float32),
            jax.ShapeDtypeStruct((1, RD * 128), jnp.float32),
        ],
    )(outp, inp)


@functools.partial(
    pl.kernel,
    out_type=(
        jax.ShapeDtypeStruct((NS, RPS, HALF), jnp.float32),
        jax.ShapeDtypeStruct((NS, RPS, HALF), jnp.float32),
    ),
    mesh=_MESH,
    scratch_types=[
        pltpu.VMEM((PCH, CH), jnp.int32),
        pltpu.VMEM((PCH, CH), jnp.int32),
        pltpu.VMEM((CH, HALF), jnp.float32),
        pltpu.VMEM((CH, HALF), jnp.float32),
        pltpu.VMEM_SHARED((NP, HALF), jnp.float32),
        pltpu.SemaphoreType.DMA,
        pltpu.SemaphoreType.DMA,
    ],
)
def _agg_kernel(h0_hbm, h1_hbm, src_hbm, dst_hbm, z_hbm,
                agg0_hbm, agg1_hbm, idxs_v, idxd_v, rows0_v, rows1_v,
                agg_sh, gs0, gs1):
    c = lax.axis_index("c")
    s = lax.axis_index("s")
    pltpu.sync_copy(z_hbm.at[s], agg_sh.at[pl.ds(s * RPS, RPS)])
    plsc.subcore_barrier()

    def run(h_hbm, out_hbm):
        def gather(j, buf, sem):
            pltpu.async_copy(h_hbm.at[idxs_v.at[j]], buf, sem)

        def gwait(j, buf, sem):
            pltpu.make_async_copy(h_hbm.at[idxs_v.at[j]], buf, sem).wait()

        def scatter(j, buf, sem):
            pltpu.async_copy(buf, agg_sh.at[idxd_v.at[j]], sem,
                             add=True).wait()

        for ph in range(PH):
            pltpu.sync_copy(src_hbm.at[s].at[pl.ds(ph * PCH, PCH)], idxs_v)
            pltpu.sync_copy(dst_hbm.at[s].at[pl.ds(ph * PCH, PCH)], idxd_v)
            gather(0, rows0_v, gs0)

            @pl.loop(0, PCH // 2 - 1)
            def _(p):
                a = 1 + 2 * p
                gather(a, rows1_v, gs1)
                gwait(2 * p, rows0_v, gs0)
                scatter(2 * p, rows0_v, gs0)
                gather(a + 1, rows0_v, gs0)
                gwait(a, rows1_v, gs1)
                scatter(a, rows1_v, gs1)

            gather(PCH - 1, rows1_v, gs1)
            gwait(PCH - 2, rows0_v, gs0)
            scatter(PCH - 2, rows0_v, gs0)
            gwait(PCH - 1, rows1_v, gs1)
            scatter(PCH - 1, rows1_v, gs1)

        plsc.subcore_barrier()
        pltpu.sync_copy(agg_sh.at[pl.ds(s * RPS, RPS)], out_hbm.at[s])

    @pl.when(c == 0)
    def _():
        run(h0_hbm, agg0_hbm)

    @pl.when(c == 1)
    def _():
        run(h1_hbm, agg1_hbm)


_BLK = 1000


def _matmul_body(f_ref, w_ref, y_ref):
    y_ref[...] = jnp.dot(f_ref[...], w_ref[...],
                         preferred_element_type=jnp.float32,
                         precision=lax.Precision.HIGHEST)


def _matmul(feats, W):
    return pl.pallas_call(
        _matmul_body,
        grid=(N // _BLK,),
        in_specs=[
            pl.BlockSpec((_BLK, D), lambda i: (i, 0)),
            pl.BlockSpec((D, D), lambda i: (0, 0)),
        ],
        out_specs=pl.BlockSpec((_BLK, D), lambda i: (i, 0)),
        out_shape=jax.ShapeDtypeStruct((N, D), jnp.float32),
    )(feats, W)


def _scale_body(f_ref, d_ref, h0_ref, h1_ref):
    h = f_ref[...] * d_ref[...]
    h0_ref[...] = h[:, :HALF]
    h1_ref[...] = h[:, HALF:]


def _scale(feats, outdegw):
    return pl.pallas_call(
        _scale_body,
        grid=(N // _BLK,),
        in_specs=[
            pl.BlockSpec((_BLK, D), lambda i: (i, 0)),
            pl.BlockSpec((_BLK, 1), lambda i: (i, 0)),
        ],
        out_specs=[
            pl.BlockSpec((_BLK, HALF), lambda i: (i, 0)),
            pl.BlockSpec((_BLK, HALF), lambda i: (i, 0)),
        ],
        out_shape=[
            jax.ShapeDtypeStruct((N, HALF), jnp.float32),
            jax.ShapeDtypeStruct((N, HALF), jnp.float32),
        ],
    )(feats, outdegw)


def _final_body(a0_ref, a1_ref, d_ref, b_ref, o_ref):
    nd = d_ref[...]
    o_ref[:, :HALF] = jnp.maximum(a0_ref[...] * nd + b_ref[:, :HALF], 0.0)
    o_ref[:, HALF:] = jnp.maximum(a1_ref[...] * nd + b_ref[:, HALF:], 0.0)


def _final(agg0, agg1, indegw, b2d):
    return pl.pallas_call(
        _final_body,
        grid=(N // _BLK,),
        in_specs=[
            pl.BlockSpec((_BLK, HALF), lambda i: (i, 0)),
            pl.BlockSpec((_BLK, HALF), lambda i: (i, 0)),
            pl.BlockSpec((_BLK, 1), lambda i: (i, 0)),
            pl.BlockSpec((1, D), lambda i: (0, 0)),
        ],
        out_specs=pl.BlockSpec((_BLK, D), lambda i: (i, 0)),
        out_shape=jax.ShapeDtypeStruct((N, D), jnp.float32),
    )(agg0, agg1, indegw, b2d)


def kernel(feats, edge_index, W, b):
    trash = jnp.broadcast_to(N + jnp.arange(NS, dtype=jnp.int32)[:, None],
                             (NS, PAD))
    zpad = jnp.broadcast_to(jnp.arange(NS, dtype=jnp.int32)[:, None],
                            (NS, PAD))
    e0 = edge_index[0].reshape(NS, EPS)
    e1 = edge_index[1].reshape(NS, EPS)
    srcd = jnp.concatenate([e0, trash], axis=1).reshape(NS, NCH, CH)
    srca = jnp.concatenate([e0, zpad], axis=1).reshape(NS, NCH, CH)
    dst = jnp.concatenate([e1, trash], axis=1).reshape(NS, NCH, CH)
    y = _matmul(feats, W)
    outp, inp = _deg_kernel(srcd, dst)
    outdegw, indegw = _degsum(outp, inp)
    outdegw = outdegw.reshape(RD * 128)[:N].reshape(N, 1)
    indegw = indegw.reshape(RD * 128)[:N].reshape(N, 1)
    h0, h1 = _scale(y, outdegw)
    zerosw = jnp.zeros((NS, RPS, HALF), jnp.float32)
    agg0, agg1 = _agg_kernel(h0, h1, srca, dst, zerosw)
    return _final(agg0.reshape(NP, HALF), agg1.reshape(NP, HALF),
                  indegw, b.reshape(1, D))

# --- scband reference (transcript-rebuilt; emitter-appended) ---
"""Pipeline reference for scband-gcn-20899310862689 (READ-ONLY COPY).

The authoritative reference and input builder live on the scoring server;
editing this copy changes nothing except your own understanding.
"""

import jax, jax.numpy as jnp
import numpy as np

N_NODES = 10000
N_EDGES = 160000
D_FEAT = 256
D_OUT = 256

def setup_inputs(seed: int = 0) -> dict:
    key = jax.random.key(seed)
    k1, k2, k3 = jax.random.split(key, 3)
    feats = jax.random.normal(k1, (N_NODES, D_FEAT), dtype=jnp.float32)
    edge_index = jax.random.randint(k2, (2, N_EDGES), 0, N_NODES)
    W = jax.random.normal(k3, (D_FEAT, D_OUT), dtype=jnp.float32) * (1.0 / np.sqrt(D_FEAT))
    b = jnp.zeros((D_OUT,), dtype=jnp.float32)
    return {"feats": feats, "edge_index": edge_index, "W": W, "b": b}

def reference(feats, edge_index, W, b):
    # DGL GraphConv with norm='both', weight=True, bias=True,
    # allow_zero_in_degree=True; followed by ReLU activation.
    N = feats.shape[0]
    src = edge_index[0]
    dst = edge_index[1]
    # source normalization: out-degree^{-1/2} (clamped at 1)
    out_deg = jnp.clip(jnp.bincount(src, length=N), 1, None).astype(jnp.float32)
    norm_src = jax.lax.rsqrt(out_deg)
    h = feats * norm_src[:, None]
    # message passing: sum over incoming edges (gather by src, scatter-add by dst)
    msgs = jnp.take(h, src, axis=0)
    agg = jax.ops.segment_sum(msgs, dst, num_segments=N)
    # destination normalization: in-degree^{-1/2} (clamped at 1)
    in_deg = jnp.clip(jnp.bincount(dst, length=N), 1, None).astype(jnp.float32)
    norm_dst = jax.lax.rsqrt(in_deg)
    rst = agg * norm_dst[:, None]
    # linear transform + bias (in_feats <= out_feats: aggregate first, then W)
    out = rst @ W + b
    return jax.nn.relu(out)

if __name__ == "__main__":
    import jax
    _d = setup_inputs()
    print(jax.jit(kernel)(*tuple(_d.values())))

</pallas_src>

<mosaic_0001>
#map = affine_map<(d0, d1) -> (0, 0, 0)>
#map1 = affine_map<(d0, d1) -> (0, 0)>
module attributes {stable_mosaic.version = 14 : i64} {
  func.func @_deg_kernel(%arg0: i32, %arg1: i32, %arg2: memref<16x80x128xi32, #tpu.memory_space<hbm>>, %arg3: memref<16x80x128xi32, #tpu.memory_space<hbm>>, %arg4: memref<16x10240xi32, #tpu.memory_space<hbm>>, %arg5: memref<16x10240xi32, #tpu.memory_space<hbm>>, %arg6: memref<80x128xi32, #tpu.memory_space<vmem>>, %arg7: memref<10240xi32, #tpu.memory_space<vmem>>) attributes {dimension_semantics = [#tpu.dimension_semantics<core_parallel>, #tpu.dimension_semantics<subcore_parallel>], iteration_bounds = array<i64: 2, 16>, scalar_prefetch = 0 : i64, scratch_operands = 2 : i64, tpu.core_type = #tpu.core_type<sc_vector_subcore>, window_params = [{transform_indices = #map}, {transform_indices = #map}, {transform_indices = #map1}, {transform_indices = #map1}]} {
    %eq3A = arith.constant 0 : i32
    %eq3A_0 = arith.cmpi eq, %arg0, %eq3A : i32
    %convert_element_type3A = arith.extui %eq3A_0 : i1 to i32
    %cond3A = arith.constant 0 : i32
    %cond3A_1 = arith.cmpi ne, %convert_element_type3A, %cond3A : i32
    scf.if %cond3A_1 {
      "tpu.region"() ({
        %run_scoped3A = tpu.sem_alloc : memref<!tpu.dma_semaphore, #tpu.memory_space<semaphore_mem>>
        %dma_start3A = arith.constant 0 : i32
        %dma_start3A_29 = arith.constant 0 : i32
        %dma_start3A_30 = tpu.memref_slice %arg2[%arg1, %dma_start3A, %dma_start3A_29] : memref<16x80x128xi32, #tpu.memory_space<hbm>> -> memref<1x80x128xi32, #tpu.memory_space<hbm>>
        %dma_start3A_31 = tpu.memref_squeeze %dma_start3A_30 : memref<1x80x128xi32, #tpu.memory_space<hbm>> -> memref<80x128xi32, #tpu.memory_space<hbm>>
        %dma_start3A_32 = arith.constant 0 : i32
        %dma_start3A_33 = arith.constant 0 : i32
        %dma_start3A_34 = tpu.memref_slice %arg2[%arg1, %dma_start3A_32, %dma_start3A_33] : memref<16x80x128xi32, #tpu.memory_space<hbm>> -> memref<1x80x128xi32, #tpu.memory_space<hbm>>
        %dma_start3A_35 = tpu.memref_squeeze %dma_start3A_34 : memref<1x80x128xi32, #tpu.memory_space<hbm>> -> memref<80x128xi32, #tpu.memory_space<hbm>>
        tpu.enqueue_dma source(%dma_start3A_35 : memref<80x128xi32, #tpu.memory_space<hbm>>) target(%arg6 : memref<80x128xi32, #tpu.memory_space<vmem>>) target_semaphore(%run_scoped3A : memref<!tpu.dma_semaphore, #tpu.memory_space<semaphore_mem>>)
        %dma_wait3A = arith.constant 0 : i32
        %dma_wait3A_36 = arith.constant 0 : i32
        %dma_wait3A_37 = tpu.memref_slice %arg2[%arg1, %dma_wait3A, %dma_wait3A_36] : memref<16x80x128xi32, #tpu.memory_space<hbm>> -> memref<1x80x128xi32, #tpu.memory_space<hbm>>
        %dma_wait3A_38 = tpu.memref_squeeze %dma_wait3A_37 : memref<1x80x128xi32, #tpu.memory_space<hbm>> -> memref<80x128xi32, #tpu.memory_space<hbm>>
        %dma_wait3A_39 = arith.constant 0 : i32
        %dma_wait3A_40 = arith.constant 0 : i32
        %dma_wait3A_41 = tpu.memref_slice %arg2[%arg1, %dma_wait3A_39, %dma_wait3A_40] : memref<16x80x128xi32, #tpu.memory_space<hbm>> -> memref<1x80x128xi32, #tpu.memory_space<hbm>>
        %dma_wait3A_42 = tpu.memref_squeeze %dma_wait3A_41 : memref<1x80x128xi32, #tpu.memory_space<hbm>> -> memref<80x128xi32, #tpu.memory_space<hbm>>
        tpu.wait_dma2 semaphore(%run_scoped3A : memref<!tpu.dma_semaphore, #tpu.memory_space<semaphore_mem>>) src(%dma_wait3A_42 : memref<80x128xi32, #tpu.memory_space<hbm>>) dst(%arg6 : memref<80x128xi32, #tpu.memory_space<vmem>>)
        tpu.yield
      }) : () -> ()
    } else {
    }
    %eq3A_2 = arith.constant 1 : i32
    %eq3A_3 = arith.cmpi eq, %arg0, %eq3A_2 : i32
    %convert_element_type3A_4 = arith.extui %eq3A_3 : i1 to i32
    %cond3A_5 = arith.constant 0 : i32
    %cond3A_6 = arith.cmpi ne, %convert_element_type3A_4, %cond3A_5 : i32
    scf.if %cond3A_6 {
      "tpu.region"() ({
        %run_scoped3A = tpu.sem_alloc : memref<!tpu.dma_semaphore, #tpu.memory_space<semaphore_mem>>
        %dma_start3A = arith.constant 0 : i32
        %dma_start3A_29 = arith.constant 0 : i32
        %dma_start3A_30 = tpu.memref_slice %arg3[%arg1, %dma_start3A, %dma_start3A_29] : memref<16x80x128xi32, #tpu.memory_space<hbm>> -> memref<1x80x128xi32, #tpu.memory_space<hbm>>
        %dma_start3A_31 = tpu.memref_squeeze %dma_start3A_30 : memref<1x80x128xi32, #tpu.memory_space<hbm>> -> memref<80x128xi32, #tpu.memory_space<hbm>>
        %dma_start3A_32 = arith.constant 0 : i32
        %dma_start3A_33 = arith.constant 0 : i32
        %dma_start3A_34 = tpu.memref_slice %arg3[%arg1, %dma_start3A_32, %dma_start3A_33] : memref<16x80x128xi32, #tpu.memory_space<hbm>> -> memref<1x80x128xi32, #tpu.memory_space<hbm>>
        %dma_start3A_35 = tpu.memref_squeeze %dma_start3A_34 : memref<1x80x128xi32, #tpu.memory_space<hbm>> -> memref<80x128xi32, #tpu.memory_space<hbm>>
        tpu.enqueue_dma source(%dma_start3A_35 : memref<80x128xi32, #tpu.memory_space<hbm>>) target(%arg6 : memref<80x128xi32, #tpu.memory_space<vmem>>) target_semaphore(%run_scoped3A : memref<!tpu.dma_semaphore, #tpu.memory_space<semaphore_mem>>)
        %dma_wait3A = arith.constant 0 : i32
        %dma_wait3A_36 = arith.constant 0 : i32
        %dma_wait3A_37 = tpu.memref_slice %arg3[%arg1, %dma_wait3A, %dma_wait3A_36] : memref<16x80x128xi32, #tpu.memory_space<hbm>> -> memref<1x80x128xi32, #tpu.memory_space<hbm>>
        %dma_wait3A_38 = tpu.memref_squeeze %dma_wait3A_37 : memref<1x80x128xi32, #tpu.memory_space<hbm>> -> memref<80x128xi32, #tpu.memory_space<hbm>>
        %dma_wait3A_39 = arith.constant 0 : i32
        %dma_wait3A_40 = arith.constant 0 : i32
        %dma_wait3A_41 = tpu.memref_slice %arg3[%arg1, %dma_wait3A_39, %dma_wait3A_40] : memref<16x80x128xi32, #tpu.memory_space<hbm>> -> memref<1x80x128xi32, #tpu.memory_space<hbm>>
        %dma_wait3A_42 = tpu.memref_squeeze %dma_wait3A_41 : memref<1x80x128xi32, #tpu.memory_space<hbm>> -> memref<80x128xi32, #tpu.memory_space<hbm>>
        tpu.wait_dma2 semaphore(%run_scoped3A : memref<!tpu.dma_semaphore, #tpu.memory_space<semaphore_mem>>) src(%dma_wait3A_42 : memref<80x128xi32, #tpu.memory_space<hbm>>) dst(%arg6 : memref<80x128xi32, #tpu.memory_space<vmem>>)
        tpu.yield
      }) : () -> ()
    } else {
    }
    %broadcast_in_dim3A = arith.constant 0 : i32
    %broadcast_in_dim3A_7 = vector.broadcast %broadcast_in_dim3A : i32 to vector<16xi32>
    %scan3A = arith.constant 0 : i32
    %scan3A_8 = arith.constant 640 : i32
    %scan3A_9 = arith.addi %scan3A, %scan3A_8 : i32
    %scan3A_10 = arith.constant 1 : i32
    scf.for %scan3A_29 = %scan3A to %scan3A_9 step %scan3A_10  : i32 {
      %mul3A = arith.constant 1 : i32
      %mul3A_30 = arith.muli %scan3A_29, %mul3A : i32
      %add3A = arith.constant 0 : i32
      %add3A_31 = arith.addi %add3A, %mul3A_30 : i32
      %mul3A_32 = arith.constant 16 : i32
      %mul3A_33 = arith.muli %add3A_31, %mul3A_32 : i32
      %swap3A = arith.index_cast %mul3A_33 : i32 to index
      %swap3A_34 = tpu.vector_load %arg7[%swap3A] {strides = array<i32>} : memref<10240xi32, #tpu.memory_space<vmem>>, vector<16xi32>,
      tpu.vector_store %arg7[%swap3A], %broadcast_in_dim3A_7 {strides = array<i32>} : memref<10240xi32, #tpu.memory_space<vmem>>, vector<16xi32>,
    }
    %scan3A_11 = arith.constant 640 : i32
    %broadcast_in_dim3A_12 = arith.constant 1 : i32
    %broadcast_in_dim3A_13 = vector.broadcast %broadcast_in_dim3A_12 : i32 to vector<16xi32>
    %scan3A_14 = arith.constant 0 : i32
    %scan3A_15 = arith.constant 80 : i32
    %scan3A_16 = arith.addi %scan3A_14, %scan3A_15 : i32
    %scan3A_17 = arith.constant 1 : i32
    scf.for %scan3A_29 = %scan3A_14 to %scan3A_16 step %scan3A_17  : i32 {
      %mul3A = arith.constant 1 : i32
      %mul3A_30 = arith.muli %scan3A_29, %mul3A : i32
      %add3A = arith.constant 0 : i32
      %add3A_31 = arith.addi %add3A, %mul3A_30 : i32
      %scan3A_32 = arith.constant 0 : i32
      %scan3A_33 = arith.constant 8 : i32
      %scan3A_34 = arith.addi %scan3A_32, %scan3A_33 : i32
      %scan3A_35 = arith.constant 1 : i32
      scf.for %scan3A_37 = %scan3A_32 to %scan3A_34 step %scan3A_35  : i32 {
        %mul3A_38 = arith.constant 1 : i32
        %mul3A_39 = arith.muli %scan3A_37, %mul3A_38 : i32
        %add3A_40 = arith.constant 0 : i32
        %add3A_41 = arith.addi %add3A_40, %mul3A_39 : i32
        %mul3A_42 = arith.constant 16 : i32
        %mul3A_43 = arith.muli %add3A_41, %mul3A_42 : i32
        %get3A = arith.index_cast %add3A_31 : i32 to index
        %get3A_44 = arith.index_cast %mul3A_43 : i32 to index
        %get3A_45 = tpu.vector_load %arg6[%get3A, %get3A_44] {strides = array<i32>} : memref<80x128xi32, #tpu.memory_space<vmem>>, vector<16xi32>,
        tpu.vector_store_idx %arg7[%get3A_45], %broadcast_in_dim3A_13 {add = true} : memref<10240xi32, #tpu.memory_space<vmem>>[vector<16xi32>], vector<16xi32>,
      }
      %scan3A_36 = arith.constant 8 : i32
    }
    %scan3A_18 = arith.constant 80 : i32
    %eq3A_19 = arith.constant 0 : i32
    %eq3A_20 = arith.cmpi eq, %arg0, %eq3A_19 : i32
    %convert_element_type3A_21 = arith.extui %eq3A_20 : i1 to i32
    %cond3A_22 = arith.constant 0 : i32
    %cond3A_23 = arith.cmpi ne, %convert_element_type3A_21, %cond3A_22 : i32
    scf.if %cond3A_23 {
      "tpu.region"() ({
        %run_scoped3A = tpu.sem_alloc : memref<!tpu.dma_semaphore, #tpu.memory_space<semaphore_mem>>
        %dma_start3A = arith.constant 0 : i32
        %dma_start3A_29 = tpu.memref_slice %arg4[%arg1, %dma_start3A] : memref<16x10240xi32, #tpu.memory_space<hbm>> -> memref<1x10240xi32, #tpu.memory_space<hbm>>
        %dma_start3A_30 = tpu.memref_squeeze %dma_start3A_29 : memref<1x10240xi32, #tpu.memory_space<hbm>> -> memref<10240xi32, #tpu.memory_space<hbm>>
        %dma_start3A_31 = arith.constant 0 : i32
        %dma_start3A_32 = tpu.memref_slice %arg4[%arg1, %dma_start3A_31] : memref<16x10240xi32, #tpu.memory_space<hbm>> -> memref<1x10240xi32, #tpu.memory_space<hbm>>
        %dma_start3A_33 = tpu.memref_squeeze %dma_start3A_32 : memref<1x10240xi32, #tpu.memory_space<hbm>> -> memref<10240xi32, #tpu.memory_space<hbm>>
        tpu.enqueue_dma source(%arg7 : memref<10240xi32, #tpu.memory_space<vmem>>) target(%dma_start3A_33 : memref<10240xi32, #tpu.memory_space<hbm>>) target_semaphore(%run_scoped3A : memref<!tpu.dma_semaphore, #tpu.memory_space<semaphore_mem>>)
        %dma_wait3A = arith.constant 0 : i32
        %dma_wait3A_34 = tpu.memref_slice %arg4[%arg1, %dma_wait3A] : memref<16x10240xi32, #tpu.memory_space<hbm>> -> memref<1x10240xi32, #tpu.memory_space<hbm>>
        %dma_wait3A_35 = tpu.memref_squeeze %dma_wait3A_34 : memref<1x10240xi32, #tpu.memory_space<hbm>> -> memref<10240xi32, #tpu.memory_space<hbm>>
        %dma_wait3A_36 = arith.constant 0 : i32
        %dma_wait3A_37 = tpu.memref_slice %arg4[%arg1, %dma_wait3A_36] : memref<16x10240xi32, #tpu.memory_space<hbm>> -> memref<1x10240xi32, #tpu.memory_space<hbm>>
        %dma_wait3A_38 = tpu.memref_squeeze %dma_wait3A_37 : memref<1x10240xi32, #tpu.memory_space<hbm>> -> memref<10240xi32, #tpu.memory_space<hbm>>
        tpu.wait_dma2 semaphore(%run_scoped3A : memref<!tpu.dma_semaphore, #tpu.memory_space<semaphore_mem>>) src(%arg7 : memref<10240xi32, #tpu.memory_space<vmem>>) dst(%dma_wait3A_38 : memref<10240xi32, #tpu.memory_space<hbm>>)
        tpu.yield
      }) : () -> ()
    } else {
    }
    %eq3A_24 = arith.constant 1 : i32
    %eq3A_25 = arith.cmpi eq, %arg0, %eq3A_24 : i32
    %convert_element_type3A_26 = arith.extui %eq3A_25 : i1 to i32
    %cond3A_27 = arith.constant 0 : i32
    %cond3A_28 = arith.cmpi ne, %convert_element_type3A_26, %cond3A_27 : i32
    scf.if %cond3A_28 {
      "tpu.region"() ({
        %run_scoped3A = tpu.sem_alloc : memref<!tpu.dma_semaphore, #tpu.memory_space<semaphore_mem>>
        %dma_start3A = arith.constant 0 : i32
        %dma_start3A_29 = tpu.memref_slice %arg5[%arg1, %dma_start3A] : memref<16x10240xi32, #tpu.memory_space<hbm>> -> memref<1x10240xi32, #tpu.memory_space<hbm>>
        %dma_start3A_30 = tpu.memref_squeeze %dma_start3A_29 : memref<1x10240xi32, #tpu.memory_space<hbm>> -> memref<10240xi32, #tpu.memory_space<hbm>>
        %dma_start3A_31 = arith.constant 0 : i32
        %dma_start3A_32 = tpu.memref_slice %arg5[%arg1, %dma_start3A_31] : memref<16x10240xi32, #tpu.memory_space<hbm>> -> memref<1x10240xi32, #tpu.memory_space<hbm>>
        %dma_start3A_33 = tpu.memref_squeeze %dma_start3A_32 : memref<1x10240xi32, #tpu.memory_space<hbm>> -> memref<10240xi32, #tpu.memory_space<hbm>>
        tpu.enqueue_dma source(%arg7 : memref<10240xi32, #tpu.memory_space<vmem>>) target(%dma_start3A_33 : memref<10240xi32, #tpu.memory_space<hbm>>) target_semaphore(%run_scoped3A : memref<!tpu.dma_semaphore, #tpu.memory_space<semaphore_mem>>)
        %dma_wait3A = arith.constant 0 : i32
        %dma_wait3A_34 = tpu.memref_slice %arg5[%arg1, %dma_wait3A] : memref<16x10240xi32, #tpu.memory_space<hbm>> -> memref<1x10240xi32, #tpu.memory_space<hbm>>
        %dma_wait3A_35 = tpu.memref_squeeze %dma_wait3A_34 : memref<1x10240xi32, #tpu.memory_space<hbm>> -> memref<10240xi32, #tpu.memory_space<hbm>>
        %dma_wait3A_36 = arith.constant 0 : i32
        %dma_wait3A_37 = tpu.memref_slice %arg5[%arg1, %dma_wait3A_36] : memref<16x10240xi32, #tpu.memory_space<hbm>> -> memref<1x10240xi32, #tpu.memory_space<hbm>>
        %dma_wait3A_38 = tpu.memref_squeeze %dma_wait3A_37 : memref<1x10240xi32, #tpu.memory_space<hbm>> -> memref<10240xi32, #tpu.memory_space<hbm>>
        tpu.wait_dma2 semaphore(%run_scoped3A : memref<!tpu.dma_semaphore, #tpu.memory_space<semaphore_mem>>) src(%arg7 : memref<10240xi32, #tpu.memory_space<vmem>>) dst(%dma_wait3A_38 : memref<10240xi32, #tpu.memory_space<hbm>>)
        tpu.yield
      }) : () -> ()
    } else {
    }
    return
  }
}

#map = affine_map<(d0, d1) -> (0, 0)>
#map1 = affine_map<(d0, d1) -> (0, 0, 0)>
module attributes {stable_mosaic.version = 14 : i64} {
  func.func @_agg_kernel(%arg0: i32, %arg1: i32, %arg2: memref<10000x128xf32, #tpu.memory_space<hbm>>, %arg3: memref<10000x128xf32, #tpu.memory_space<hbm>>, %arg4: memref<16x80x128xi32, #tpu.memory_space<hbm>>, %arg5: memref<16x80x128xi32, #tpu.memory_space<hbm>>, %arg6: memref<16x626x128xf32, #tpu.memory_space<hbm>>, %arg7: memref<16x626x128xf32, #tpu.memory_space<hbm>>, %arg8: memref<16x626x128xf32, #tpu.memory_space<hbm>>, %arg9: memref<40x128xi32, #tpu.memory_space<vmem>>, %arg10: memref<40x128xi32, #tpu.memory_space<vmem>>, %arg11: memref<128x128xf32, #tpu.memory_space<vmem>>, %arg12: memref<128x128xf32, #tpu.memory_space<vmem>>, %arg13: memref<10016x128xf32, #tpu.memory_space<vmem_shared>>, %arg14: memref<!tpu.dma_semaphore, #tpu.memory_space<semaphore_mem>>, %arg15: memref<!tpu.dma_semaphore, #tpu.memory_space<semaphore_mem>>) attributes {dimension_semantics = [#tpu.dimension_semantics<core_parallel>, #tpu.dimension_semantics<subcore_parallel>], iteration_bounds = array<i64: 2, 16>, scalar_prefetch = 0 : i64, scratch_operands = 7 : i64, tpu.core_type = #tpu.core_type<sc_vector_subcore>, window_params = [{transform_indices = #map}, {transform_indices = #map}, {transform_indices = #map1}, {transform_indices = #map1}, {transform_indices = #map1}, {transform_indices = #map1}, {transform_indices = #map1}]} {
    %mul3A = arith.constant 626 : i32
    %mul3A_0 = arith.muli %arg1, %mul3A : i32
    "tpu.region"() ({
      %run_scoped3A = tpu.sem_alloc : memref<!tpu.dma_semaphore, #tpu.memory_space<semaphore_mem>>
      %dma_start3A = arith.constant 0 : i32
      %dma_start3A_8 = tpu.memref_slice %arg13[%mul3A_0, %dma_start3A] : memref<10016x128xf32, #tpu.memory_space<vmem_shared>> -> memref<626x128xf32, #tpu.memory_space<vmem_shared>>
      %dma_start3A_9 = arith.constant 0 : i32
      %dma_start3A_10 = arith.constant 0 : i32
      %dma_start3A_11 = tpu.memref_slice %arg6[%arg1, %dma_start3A_9, %dma_start3A_10] : memref<16x626x128xf32, #tpu.memory_space<hbm>> -> memref<1x626x128xf32, #tpu.memory_space<hbm>>
      %dma_start3A_12 = tpu.memref_squeeze %dma_start3A_11 : memref<1x626x128xf32, #tpu.memory_space<hbm>> -> memref<626x128xf32, #tpu.memory_space<hbm>>
      tpu.enqueue_dma source(%dma_start3A_12 : memref<626x128xf32, #tpu.memory_space<hbm>>) target(%dma_start3A_8 : memref<626x128xf32, #tpu.memory_space<vmem_shared>>) target_semaphore(%run_scoped3A : memref<!tpu.dma_semaphore, #tpu.memory_space<semaphore_mem>>)
      %dma_wait3A = arith.constant 0 : i32
      %dma_wait3A_13 = tpu.memref_slice %arg13[%mul3A_0, %dma_wait3A] : memref<10016x128xf32, #tpu.memory_space<vmem_shared>> -> memref<626x128xf32, #tpu.memory_space<vmem_shared>>
      %dma_wait3A_14 = arith.constant 0 : i32
      %dma_wait3A_15 = arith.constant 0 : i32
      %dma_wait3A_16 = tpu.memref_slice %arg6[%arg1, %dma_wait3A_14, %dma_wait3A_15] : memref<16x626x128xf32, #tpu.memory_space<hbm>> -> memref<1x626x128xf32, #tpu.memory_space<hbm>>
      %dma_wait3A_17 = tpu.memref_squeeze %dma_wait3A_16 : memref<1x626x128xf32, #tpu.memory_space<hbm>> -> memref<626x128xf32, #tpu.memory_space<hbm>>
      tpu.wait_dma2 semaphore(%run_scoped3A : memref<!tpu.dma_semaphore, #tpu.memory_space<semaphore_mem>>) src(%dma_wait3A_17 : memref<626x128xf32, #tpu.memory_space<hbm>>) dst(%dma_wait3A_13 : memref<626x128xf32, #tpu.memory_space<vmem_shared>>)
      tpu.yield
    }) : () -> ()
    %barrier3A = arith.constant 0 : index
    tpu.barrier barrier_id(%barrier3A)
    %eq3A = arith.constant 0 : i32
    %eq3A_1 = arith.cmpi eq, %arg0, %eq3A : i32
    %convert_element_type3A = arith.extui %eq3A_1 : i1 to i32
    %cond3A = arith.constant 0 : i32
    %cond3A_2 = arith.cmpi ne, %convert_element_type3A, %cond3A : i32
    scf.if %cond3A_2 {
      "tpu.region"() ({
        %run_scoped3A = tpu.sem_alloc : memref<!tpu.dma_semaphore, #tpu.memory_space<semaphore_mem>>
        %dma_start3A_130 = arith.constant 0 : i32
        %dma_start3A_131 = arith.constant 0 : i32
        %dma_start3A_132 = tpu.memref_slice %arg4[%arg1, %dma_start3A_130, %dma_start3A_131] : memref<16x80x128xi32, #tpu.memory_space<hbm>> -> memref<1x80x128xi32, #tpu.memory_space<hbm>>
        %dma_start3A_133 = tpu.memref_squeeze %dma_start3A_132 : memref<1x80x128xi32, #tpu.memory_space<hbm>> -> memref<80x128xi32, #tpu.memory_space<hbm>>
        %dma_start3A_134 = arith.constant 0 : i32
        %dma_start3A_135 = arith.constant 0 : i32
        %dma_start3A_136 = tpu.memref_slice %dma_start3A_133[%dma_start3A_134, %dma_start3A_135] : memref<80x128xi32, #tpu.memory_space<hbm>> -> memref<40x128xi32, #tpu.memory_space<hbm>>
        %dma_start3A_137 = arith.constant 0 : i32
        %dma_start3A_138 = arith.constant 0 : i32
        %dma_start3A_139 = tpu.memref_slice %arg4[%arg1, %dma_start3A_137, %dma_start3A_138] : memref<16x80x128xi32, #tpu.memory_space<hbm>> -> memref<1x80x128xi32, #tpu.memory_space<hbm>>
        %dma_start3A_140 = tpu.memref_squeeze %dma_start3A_139 : memref<1x80x128xi32, #tpu.memory_space<hbm>> -> memref<80x128xi32, #tpu.memory_space<hbm>>
        %dma_start3A_141 = arith.constant 0 : i32
        %dma_start3A_142 = arith.constant 0 : i32
        %dma_start3A_143 = tpu.memref_slice %dma_start3A_140[%dma_start3A_141, %dma_start3A_142] : memref<80x128xi32, #tpu.memory_space<hbm>> -> memref<40x128xi32, #tpu.memory_space<hbm>>
        tpu.enqueue_dma source(%dma_start3A_143 : memref<40x128xi32, #tpu.memory_space<hbm>>) target(%arg9 : memref<40x128xi32, #tpu.memory_space<vmem>>) target_semaphore(%run_scoped3A : memref<!tpu.dma_semaphore, #tpu.memory_space<semaphore_mem>>)
        %dma_wait3A_144 = arith.constant 0 : i32
        %dma_wait3A_145 = arith.constant 0 : i32
        %dma_wait3A_146 = tpu.memref_slice %arg4[%arg1, %dma_wait3A_144, %dma_wait3A_145] : memref<16x80x128xi32, #tpu.memory_space<hbm>> -> memref<1x80x128xi32, #tpu.memory_space<hbm>>
        %dma_wait3A_147 = tpu.memref_squeeze %dma_wait3A_146 : memref<1x80x128xi32, #tpu.memory_space<hbm>> -> memref<80x128xi32, #tpu.memory_space<hbm>>
        %dma_wait3A_148 = arith.constant 0 : i32
        %dma_wait3A_149 = arith.constant 0 : i32
        %dma_wait3A_150 = tpu.memref_slice %dma_wait3A_147[%dma_wait3A_148, %dma_wait3A_149] : memref<80x128xi32, #tpu.memory_space<hbm>> -> memref<40x128xi32, #tpu.memory_space<hbm>>
        %dma_wait3A_151 = arith.constant 0 : i32
        %dma_wait3A_152 = arith.constant 0 : i32
        %dma_wait3A_153 = tpu.memref_slice %arg4[%arg1, %dma_wait3A_151, %dma_wait3A_152] : memref<16x80x128xi32, #tpu.memory_space<hbm>> -> memref<1x80x128xi32, #tpu.memory_space<hbm>>
        %dma_wait3A_154 = tpu.memref_squeeze %dma_wait3A_153 : memref<1x80x128xi32, #tpu.memory_space<hbm>> -> memref<80x128xi32, #tpu.memory_space<hbm>>
        %dma_wait3A_155 = arith.constant 0 : i32
        %dma_wait3A_156 = arith.constant 0 : i32
        %dma_wait3A_157 = tpu.memref_slice %dma_wait3A_154[%dma_wait3A_155, %dma_wait3A_156] : memref<80x128xi32, #tpu.memory_space<hbm>> -> memref<40x128xi32, #tpu.memory_space<hbm>>
        tpu.wait_dma2 semaphore(%run_scoped3A : memref<!tpu.dma_semaphore, #tpu.memory_space<semaphore_mem>>) src(%dma_wait3A_157 : memref<40x128xi32, #tpu.memory_space<hbm>>) dst(%arg9 : memref<40x128xi32, #tpu.memory_space<vmem>>)
        tpu.yield
      }) : () -> ()
      "tpu.region"() ({
        %run_scoped3A = tpu.sem_alloc : memref<!tpu.dma_semaphore, #tpu.memory_space<semaphore_mem>>
        %dma_start3A_130 = arith.constant 0 : i32
        %dma_start3A_131 = arith.constant 0 : i32
        %dma_start3A_132 = tpu.memref_slice %arg5[%arg1, %dma_start3A_130, %dma_start3A_131] : memref<16x80x128xi32, #tpu.memory_space<hbm>> -> memref<1x80x128xi32, #tpu.memory_space<hbm>>
        %dma_start3A_133 = tpu.memref_squeeze %dma_start3A_132 : memref<1x80x128xi32, #tpu.memory_space<hbm>> -> memref<80x128xi32, #tpu.memory_space<hbm>>
        %dma_start3A_134 = arith.constant 0 : i32
        %dma_start3A_135 = arith.constant 0 : i32
        %dma_start3A_136 = tpu.memref_slice %dma_start3A_133[%dma_start3A_134, %dma_start3A_135] : memref<80x128xi32, #tpu.memory_space<hbm>> -> memref<40x128xi32, #tpu.memory_space<hbm>>
        %dma_start3A_137 = arith.constant 0 : i32
        %dma_start3A_138 = arith.constant 0 : i32
        %dma_start3A_139 = tpu.memref_slice %arg5[%arg1, %dma_start3A_137, %dma_start3A_138] : memref<16x80x128xi32, #tpu.memory_space<hbm>> -> memref<1x80x128xi32, #tpu.memory_space<hbm>>
        %dma_start3A_140 = tpu.memref_squeeze %dma_start3A_139 : memref<1x80x128xi32, #tpu.memory_space<hbm>> -> memref<80x128xi32, #tpu.memory_space<hbm>>
        %dma_start3A_141 = arith.constant 0 : i32
        %dma_start3A_142 = arith.constant 0 : i32
        %dma_start3A_143 = tpu.memref_slice %dma_start3A_140[%dma_start3A_141, %dma_start3A_142] : memref<80x128xi32, #tpu.memory_space<hbm>> -> memref<40x128xi32, #tpu.memory_space<hbm>>
        tpu.enqueue_dma source(%dma_start3A_143 : memref<40x128xi32, #tpu.memory_space<hbm>>) target(%arg10 : memref<40x128xi32, #tpu.memory_space<vmem>>) target_semaphore(%run_scoped3A : memref<!tpu.dma_semaphore, #tpu.memory_space<semaphore_mem>>)
        %dma_wait3A_144 = arith.constant 0 : i32
        %dma_wait3A_145 = arith.constant 0 : i32
        %dma_wait3A_146 = tpu.memref_slice %arg5[%arg1, %dma_wait3A_144, %dma_wait3A_145] : memref<16x80x128xi32, #tpu.memory_space<hbm>> -> memref<1x80x128xi32, #tpu.memory_space<hbm>>
        %dma_wait3A_147 = tpu.memref_squeeze %dma_wait3A_146 : memref<1x80x128xi32, #tpu.memory_space<hbm>> -> memref<80x128xi32, #tpu.memory_space<hbm>>
        %dma_wait3A_148 = arith.constant 0 : i32
        %dma_wait3A_149 = arith.constant 0 : i32
        %dma_wait3A_150 = tpu.memref_slice %dma_wait3A_147[%dma_wait3A_148, %dma_wait3A_149] : memref<80x128xi32, #tpu.memory_space<hbm>> -> memref<40x128xi32, #tpu.memory_space<hbm>>
        %dma_wait3A_151 = arith.constant 0 : i32
        %dma_wait3A_152 = arith.constant 0 : i32
        %dma_wait3A_153 = tpu.memref_slice %arg5[%arg1, %dma_wait3A_151, %dma_wait3A_152] : memref<16x80x128xi32, #tpu.memory_space<hbm>> -> memref<1x80x128xi32, #tpu.memory_space<hbm>>
        %dma_wait3A_154 = tpu.memref_squeeze %dma_wait3A_153 : memref<1x80x128xi32, #tpu.memory_space<hbm>> -> memref<80x128xi32, #tpu.memory_space<hbm>>
        %dma_wait3A_155 = arith.constant 0 : i32
        %dma_wait3A_156 = arith.constant 0 : i32
        %dma_wait3A_157 = tpu.memref_slice %dma_wait3A_154[%dma_wait3A_155, %dma_wait3A_156] : memref<80x128xi32, #tpu.memory_space<hbm>> -> memref<40x128xi32, #tpu.memory_space<hbm>>
        tpu.wait_dma2 semaphore(%run_scoped3A : memref<!tpu.dma_semaphore, #tpu.memory_space<semaphore_mem>>) src(%dma_wait3A_157 : memref<40x128xi32, #tpu.memory_space<hbm>>) dst(%arg10 : memref<40x128xi32, #tpu.memory_space<vmem>>)
        tpu.yield
      }) : () -> ()
      %dma_start3A = arith.constant 0 : i32
      %dma_start3A_8 = arith.constant 0 : i32
      %dma_start3A_9 = tpu.memref_slice %arg9[%dma_start3A, %dma_start3A_8] : memref<40x128xi32, #tpu.memory_space<vmem>> -> memref<1x128xi32, #tpu.memory_space<vmem>>
      %dma_start3A_10 = tpu.memref_squeeze %dma_start3A_9 : memref<1x128xi32, #tpu.memory_space<vmem>> -> memref<128xi32, #tpu.memory_space<vmem>>
      %dma_start3A_11 = arith.constant 0 : i32
      %dma_start3A_12 = arith.constant 0 : i32
      %dma_start3A_13 = tpu.memref_slice %arg2[%dma_start3A_11, %dma_start3A_12] : memref<10000x128xf32, #tpu.memory_space<hbm>> -> memref<10000x128xf32, #tpu.memory_space<hbm>>
      tpu.enqueue_indirect_dma source(%dma_start3A_13 : memref<10000x128xf32, #tpu.memory_space<hbm>>) target(%arg11 : memref<128x128xf32, #tpu.memory_space<vmem>>) offsets(%dma_start3A_10 : memref<128xi32, #tpu.memory_space<vmem>>) semaphore(%arg14 : memref<!tpu.dma_semaphore, #tpu.memory_space<semaphore_mem>>)
      %scan3A = arith.constant 0 : i32
      %scan3A_14 = arith.constant 19 : i32
      %scan3A_15 = arith.addi %scan3A, %scan3A_14 : i32
      %scan3A_16 = arith.constant 1 : i32
      scf.for %scan3A_130 = %scan3A to %scan3A_15 step %scan3A_16  : i32 {
        %mul3A_131 = arith.constant 1 : i32
        %mul3A_132 = arith.muli %scan3A_130, %mul3A_131 : i32
        %add3A = arith.constant 0 : i32
        %add3A_133 = arith.addi %add3A, %mul3A_132 : i32
        %mul3A_134 = arith.constant 2 : i32
        %mul3A_135 = arith.muli %mul3A_134, %add3A_133 : i32
        %add3A_136 = arith.constant 1 : i32
        %add3A_137 = arith.addi %add3A_136, %mul3A_135 : i32
        %dma_start3A_138 = arith.constant 0 : i32
        %dma_start3A_139 = tpu.memref_slice %arg9[%add3A_137, %dma_start3A_138] : memref<40x128xi32, #tpu.memory_space<vmem>> -> memref<1x128xi32, #tpu.memory_space<vmem>>
        %dma_start3A_140 = tpu.memref_squeeze %dma_start3A_139 : memref<1x128xi32, #tpu.memory_space<vmem>> -> memref<128xi32, #tpu.memory_space<vmem>>
        %dma_start3A_141 = arith.constant 0 : i32
        %dma_start3A_142 = arith.constant 0 : i32
        %dma_start3A_143 = tpu.memref_slice %arg2[%dma_start3A_141, %dma_start3A_142] : memref<10000x128xf32, #tpu.memory_space<hbm>> -> memref<10000x128xf32, #tpu.memory_space<hbm>>
        tpu.enqueue_indirect_dma source(%dma_start3A_143 : memref<10000x128xf32, #tpu.memory_space<hbm>>) target(%arg12 : memref<128x128xf32, #tpu.memory_space<vmem>>) offsets(%dma_start3A_140 : memref<128xi32, #tpu.memory_space<vmem>>) semaphore(%arg15 : memref<!tpu.dma_semaphore, #tpu.memory_space<semaphore_mem>>)
        %mul3A_144 = arith.constant 2 : i32
        %mul3A_145 = arith.muli %mul3A_144, %add3A_133 : i32
        %dma_wait3A_146 = arith.constant 0 : i32
        %dma_wait3A_147 = tpu.memref_slice %arg9[%mul3A_145, %dma_wait3A_146] : memref<40x128xi32, #tpu.memory_space<vmem>> -> memref<1x128xi32, #tpu.memory_space<vmem>>
        %dma_wait3A_148 = tpu.memref_squeeze %dma_wait3A_147 : memref<1x128xi32, #tpu.memory_space<vmem>> -> memref<128xi32, #tpu.memory_space<vmem>>
        %dma_wait3A_149 = arith.constant 0 : i32
        %dma_wait3A_150 = arith.constant 0 : i32
        %dma_wait3A_151 = tpu.memref_slice %arg2[%dma_wait3A_149, %dma_wait3A_150] : memref<10000x128xf32, #tpu.memory_space<hbm>> -> memref<10000x128xf32, #tpu.memory_space<hbm>>
        tpu.wait_indirect_dma semaphore(%arg14 : memref<!tpu.dma_semaphore, #tpu.memory_space<semaphore_mem>>) src(%dma_wait3A_151 : memref<10000x128xf32, #tpu.memory_space<hbm>>) dst(%arg11 : memref<128x128xf32, #tpu.memory_space<vmem>>)
        %mul3A_152 = arith.constant 2 : i32
        %mul3A_153 = arith.muli %mul3A_152, %add3A_133 : i32
        %dma_start3A_154 = arith.constant 0 : i32
        %dma_start3A_155 = tpu.memref_slice %arg10[%mul3A_153, %dma_start3A_154] : memref<40x128xi32, #tpu.memory_space<vmem>> -> memref<1x128xi32, #tpu.memory_space<vmem>>
        %dma_start3A_156 = tpu.memref_squeeze %dma_start3A_155 : memref<1x128xi32, #tpu.memory_space<vmem>> -> memref<128xi32, #tpu.memory_space<vmem>>
        %dma_start3A_157 = arith.constant 0 : i32
        %dma_start3A_158 = arith.constant 0 : i32
        %dma_start3A_159 = tpu.memref_slice %arg13[%dma_start3A_157, %dma_start3A_158] : memref<10016x128xf32, #tpu.memory_space<vmem_shared>> -> memref<10016x128xf32, #tpu.memory_space<vmem_shared>>
        tpu.enqueue_indirect_dma source(%arg11 : memref<128x128xf32, #tpu.memory_space<vmem>>) target(%dma_start3A_159 : memref<10016x128xf32, #tpu.memory_space<vmem_shared>>) offsets(%dma_start3A_156 : memref<128xi32, #tpu.memory_space<vmem>>) semaphore(%arg14 : memref<!tpu.dma_semaphore, #tpu.memory_space<semaphore_mem>>) {add = true}
        %dma_wait3A_160 = arith.constant 0 : i32
        %dma_wait3A_161 = tpu.memref_slice %arg10[%mul3A_153, %dma_wait3A_160] : memref<40x128xi32, #tpu.memory_space<vmem>> -> memref<1x128xi32, #tpu.memory_space<vmem>>
        %dma_wait3A_162 = tpu.memref_squeeze %dma_wait3A_161 : memref<1x128xi32, #tpu.memory_space<vmem>> -> memref<128xi32, #tpu.memory_space<vmem>>
        %dma_wait3A_163 = arith.constant 0 : i32
        %dma_wait3A_164 = arith.constant 0 : i32
        %dma_wait3A_165 = tpu.memref_slice %arg13[%dma_wait3A_163, %dma_wait3A_164] : memref<10016x128xf32, #tpu.memory_space<vmem_shared>> -> memref<10016x128xf32, #tpu.memory_space<vmem_shared>>
        tpu.wait_indirect_dma semaphore(%arg14 : memref<!tpu.dma_semaphore, #tpu.memory_space<semaphore_mem>>) src(%arg11 : memref<128x128xf32, #tpu.memory_space<vmem>>) dst(%dma_wait3A_165 : memref<10016x128xf32, #tpu.memory_space<vmem_shared>>)
        %add3A_166 = arith.constant 1 : i32
        %add3A_167 = arith.addi %add3A_137, %add3A_166 : i32
        %dma_start3A_168 = arith.constant 0 : i32
        %dma_start3A_169 = tpu.memref_slice %arg9[%add3A_167, %dma_start3A_168] : memref<40x128xi32, #tpu.memory_space<vmem>> -> memref<1x128xi32, #tpu.memory_space<vmem>>
        %dma_start3A_170 = tpu.memref_squeeze %dma_start3A_169 : memref<1x128xi32, #tpu.memory_space<vmem>> -> memref<128xi32, #tpu.memory_space<vmem>>
        %dma_start3A_171 = arith.constant 0 : i32
        %dma_start3A_172 = arith.constant 0 : i32
        %dma_start3A_173 = tpu.memref_slice %arg2[%dma_start3A_171, %dma_start3A_172] : memref<10000x128xf32, #tpu.memory_space<hbm>> -> memref<10000x128xf32, #tpu.memory_space<hbm>>
        tpu.enqueue_indirect_dma source(%dma_start3A_173 : memref<10000x128xf32, #tpu.memory_space<hbm>>) target(%arg11 : memref<128x128xf32, #tpu.memory_space<vmem>>) offsets(%dma_start3A_170 : memref<128xi32, #tpu.memory_space<vmem>>) semaphore(%arg14 : memref<!tpu.dma_semaphore, #tpu.memory_space<semaphore_mem>>)
        %dma_wait3A_174 = arith.constant 0 : i32
        %dma_wait3A_175 = tpu.memref_slice %arg9[%add3A_137, %dma_wait3A_174] : memref<40x128xi32, #tpu.memory_space<vmem>> -> memref<1x128xi32, #tpu.memory_space<vmem>>
        %dma_wait3A_176 = tpu.memref_squeeze %dma_wait3A_175 : memref<1x128xi32, #tpu.memory_space<vmem>> -> memref<128xi32, #tpu.memory_space<vmem>>
        %dma_wait3A_177 = arith.constant 0 : i32
        %dma_wait3A_178 = arith.constant 0 : i32
        %dma_wait3A_179 = tpu.memref_slice %arg2[%dma_wait3A_177, %dma_wait3A_178] : memref<10000x128xf32, #tpu.memory_space<hbm>> -> memref<10000x128xf32, #tpu.memory_space<hbm>>
        tpu.wait_indirect_dma semaphore(%arg15 : memref<!tpu.dma_semaphore, #tpu.memory_space<semaphore_mem>>) src(%dma_wait3A_179 : memref<10000x128xf32, #tpu.memory_space<hbm>>) dst(%arg12 : memref<128x128xf32, #tpu.memory_space<vmem>>)
        %dma_start3A_180 = arith.constant 0 : i32
        %dma_start3A_181 = tpu.memref_slice %arg10[%add3A_137, %dma_start3A_180] : memref<40x128xi32, #tpu.memory_space<vmem>> -> memref<1x128xi32, #tpu.memory_space<vmem>>
        %dma_start3A_182 = tpu.memref_squeeze %dma_start3A_181 : memref<1x128xi32, #tpu.memory_space<vmem>> -> memref<128xi32, #tpu.memory_space<vmem>>
        %dma_start3A_183 = arith.constant 0 : i32
        %dma_start3A_184 = arith.constant 0 : i32
        %dma_start3A_185 = tpu.memref_slice %arg13[%dma_start3A_183, %dma_start3A_184] : memref<10016x128xf32, #tpu.memory_space<vmem_shared>> -> memref<10016x128xf32, #tpu.memory_space<vmem_shared>>
        tpu.enqueue_indirect_dma source(%arg12 : memref<128x128xf32, #tpu.memory_space<vmem>>) target(%dma_start3A_185 : memref<10016x128xf32, #tpu.memory_space<vmem_shared>>) offsets(%dma_start3A_182 : memref<128xi32, #tpu.memory_space<vmem>>) semaphore(%arg15 : memref<!tpu.dma_semaphore, #tpu.memory_space<semaphore_mem>>) {add = true}
        %dma_wait3A_186 = arith.constant 0 : i32
        %dma_wait3A_187 = tpu.memref_slice %arg10[%add3A_137, %dma_wait3A_186] : memref<40x128xi32, #tpu.memory_space<vmem>> -> memref<1x128xi32, #tpu.memory_space<vmem>>
        %dma_wait3A_188 = tpu.memref_squeeze %dma_wait3A_187 : memref<1x128xi32, #tpu.memory_space<vmem>> -> memref<128xi32, #tpu.memory_space<vmem>>
        %dma_wait3A_189 = arith.constant 0 : i32
        %dma_wait3A_190 = arith.constant 0 : i32
        %dma_wait3A_191 = tpu.memref_slice %arg13[%dma_wait3A_189, %dma_wait3A_190] : memref<10016x128xf32, #tpu.memory_space<vmem_shared>> -> memref<10016x128xf32, #tpu.memory_space<vmem_shared>>
        tpu.wait_indirect_dma semaphore(%arg15 : memref<!tpu.dma_semaphore, #tpu.memory_space<semaphore_mem>>) src(%arg12 : memref<128x128xf32, #tpu.memory_space<vmem>>) dst(%dma_wait3A_191 : memref<10016x128xf32, #tpu.memory_space<vmem_shared>>)
      }
      %scan3A_17 = arith.constant 19 : i32
      %dma_start3A_18 = arith.constant 39 : i32
      %dma_start3A_19 = arith.constant 0 : i32
      %dma_start3A_20 = tpu.memref_slice %arg9[%dma_start3A_18, %dma_start3A_19] : memref<40x128xi32, #tpu.memory_space<vmem>> -> memref<1x128xi32, #tpu.memory_space<vmem>>
      %dma_start3A_21 = tpu.memref_squeeze %dma_start3A_20 : memref<1x128xi32, #tpu.memory_space<vmem>> -> memref<128xi32, #tpu.memory_space<vmem>>
      %dma_start3A_22 = arith.constant 0 : i32
      %dma_start3A_23 = arith.constant 0 : i32
      %dma_start3A_24 = tpu.memref_slice %arg2[%dma_start3A_22, %dma_start3A_23] : memref<10000x128xf32, #tpu.memory_space<hbm>> -> memref<10000x128xf32, #tpu.memory_space<hbm>>
      tpu.enqueue_indirect_dma source(%dma_start3A_24 : memref<10000x128xf32, #tpu.memory_space<hbm>>) target(%arg12 : memref<128x128xf32, #tpu.memory_space<vmem>>) offsets(%dma_start3A_21 : memref<128xi32, #tpu.memory_space<vmem>>) semaphore(%arg15 : memref<!tpu.dma_semaphore, #tpu.memory_space<semaphore_mem>>)
      %dma_wait3A = arith.constant 38 : i32
      %dma_wait3A_25 = arith.constant 0 : i32
      %dma_wait3A_26 = tpu.memref_slice %arg9[%dma_wait3A, %dma_wait3A_25] : memref<40x128xi32, #tpu.memory_space<vmem>> -> memref<1x128xi32, #tpu.memory_space<vmem>>
      %dma_wait3A_27 = tpu.memref_squeeze %dma_wait3A_26 : memref<1x128xi32, #tpu.memory_space<vmem>> -> memref<128xi32, #tpu.memory_space<vmem>>
      %dma_wait3A_28 = arith.constant 0 : i32
      %dma_wait3A_29 = arith.constant 0 : i32
      %dma_wait3A_30 = tpu.memref_slice %arg2[%dma_wait3A_28, %dma_wait3A_29] : memref<10000x128xf32, #tpu.memory_space<hbm>> -> memref<10000x128xf32, #tpu.memory_space<hbm>>
      tpu.wait_indirect_dma semaphore(%arg14 : memref<!tpu.dma_semaphore, #tpu.memory_space<semaphore_mem>>) src(%dma_wait3A_30 : memref<10000x128xf32, #tpu.memory_space<hbm>>) dst(%arg11 : memref<128x128xf32, #tpu.memory_space<vmem>>)
      %dma_start3A_31 = arith.constant 38 : i32
      %dma_start3A_32 = arith.constant 0 : i32
      %dma_start3A_33 = tpu.memref_slice %arg10[%dma_start3A_31, %dma_start3A_32] : memref<40x128xi32, #tpu.memory_space<vmem>> -> memref<1x128xi32, #tpu.memory_space<vmem>>
      %dma_start3A_34 = tpu.memref_squeeze %dma_start3A_33 : memref<1x128xi32, #tpu.memory_space<vmem>> -> memref<128xi32, #tpu.memory_space<vmem>>
      %dma_start3A_35 = arith.constant 0 : i32
      %dma_start3A_36 = arith.constant 0 : i32
      %dma_start3A_37 = tpu.memref_slice %arg13[%dma_start3A_35, %dma_start3A_36] : memref<10016x128xf32, #tpu.memory_space<vmem_shared>> -> memref<10016x128xf32, #tpu.memory_space<vmem_shared>>
      tpu.enqueue_indirect_dma source(%arg11 : memref<128x128xf32, #tpu.memory_space<vmem>>) target(%dma_start3A_37 : memref<10016x128xf32, #tpu.memory_space<vmem_shared>>) offsets(%dma_start3A_34 : memref<128xi32, #tpu.memory_space<vmem>>) semaphore(%arg14 : memref<!tpu.dma_semaphore, #tpu.memory_space<semaphore_mem>>) {add = true}
      %dma_wait3A_38 = arith.constant 38 : i32
      %dma_wait3A_39 = arith.constant 0 : i32
      %dma_wait3A_40 = tpu.memref_slice %arg10[%dma_wait3A_38, %dma_wait3A_39] : memref<40x128xi32, #tpu.memory_space<vmem>> -> memref<1x128xi32, #tpu.memory_space<vmem>>
      %dma_wait3A_41 = tpu.memref_squeeze %dma_wait3A_40 : memref<1x128xi32, #tpu.memory_space<vmem>> -> memref<128xi32, #tpu.memory_space<vmem>>
      %dma_wait3A_42 = arith.constant 0 : i32
      %dma_wait3A_43 = arith.constant 0 : i32
      %dma_wait3A_44 = tpu.memref_slice %arg13[%dma_wait3A_42, %dma_wait3A_43] : memref<10016x128xf32, #tpu.memory_space<vmem_shared>> -> memref<10016x128xf32, #tpu.memory_space<vmem_shared>>
      tpu.wait_indirect_dma semaphore(%arg14 : memref<!tpu.dma_semaphore, #tpu.memory_space<semaphore_mem>>) src(%arg11 : memref<128x128xf32, #tpu.memory_space<vmem>>) dst(%dma_wait3A_44 : memref<10016x128xf32, #tpu.memory_space<vmem_shared>>)
      %dma_wait3A_45 = arith.constant 39 : i32
      %dma_wait3A_46 = arith.constant 0 : i32
      %dma_wait3A_47 = tpu.memref_slice %arg9[%dma_wait3A_45, %dma_wait3A_46] : memref<40x128xi32, #tpu.memory_space<vmem>> -> memref<1x128xi32, #tpu.memory_space<vmem>>
      %dma_wait3A_48 = tpu.memref_squeeze %dma_wait3A_47 : memref<1x128xi32, #tpu.memory_space<vmem>> -> memref<128xi32, #tpu.memory_space<vmem>>
      %dma_wait3A_49 = arith.constant 0 : i32
      %dma_wait3A_50 = arith.constant 0 : i32
      %dma_wait3A_51 = tpu.memref_slice %arg2[%dma_wait3A_49, %dma_wait3A_50] : memref<10000x128xf32, #tpu.memory_space<hbm>> -> memref<10000x128xf32, #tpu.memory_space<hbm>>
      tpu.wait_indirect_dma semaphore(%arg15 : memref<!tpu.dma_semaphore, #tpu.memory_space<semaphore_mem>>) src(%dma_wait3A_51 : memref<10000x128xf32, #tpu.memory_space<hbm>>) dst(%arg12 : memref<128x128xf32, #tpu.memory_space<vmem>>)
      %dma_start3A_52 = arith.constant 39 : i32
      %dma_start3A_53 = arith.constant 0 : i32
      %dma_start3A_54 = tpu.memref_slice %arg10[%dma_start3A_52, %dma_start3A_53] : memref<40x128xi32, #tpu.memory_space<vmem>> -> memref<1x128xi32, #tpu.memory_space<vmem>>
      %dma_start3A_55 = tpu.memref_squeeze %dma_start3A_54 : memref<1x128xi32, #tpu.memory_space<vmem>> -> memref<128xi32, #tpu.memory_space<vmem>>
      %dma_start3A_56 = arith.constant 0 : i32
      %dma_start3A_57 = arith.constant 0 : i32
      %dma_start3A_58 = tpu.memref_slice %arg13[%dma_start3A_56, %dma_start3A_57] : memref<10016x128xf32, #tpu.memory_space<vmem_shared>> -> memref<10016x128xf32, #tpu.memory_space<vmem_shared>>
      tpu.enqueue_indirect_dma source(%arg12 : memref<128x128xf32, #tpu.memory_space<vmem>>) target(%dma_start3A_58 : memref<10016x128xf32, #tpu.memory_space<vmem_shared>>) offsets(%dma_start3A_55 : memref<128xi32, #tpu.memory_space<vmem>>) semaphore(%arg15 : memref<!tpu.dma_semaphore, #tpu.memory_space<semaphore_mem>>) {add = true}
      %dma_wait3A_59 = arith.constant 39 : i32
      %dma_wait3A_60 = arith.constant 0 : i32
      %dma_wait3A_61 = tpu.memref_slice %arg10[%dma_wait3A_59, %dma_wait3A_60] : memref<40x128xi32, #tpu.memory_space<vmem>> -> memref<1x128xi32, #tpu.memory_space<vmem>>
      %dma_wait3A_62 = tpu.memref_squeeze %dma_wait3A_61 : memref<1x128xi32, #tpu.memory_space<vmem>> -> memref<128xi32, #tpu.memory_space<vmem>>
      %dma_wait3A_63 = arith.constant 0 : i32
      %dma_wait3A_64 = arith.constant 0 : i32
      %dma_wait3A_65 = tpu.memref_slice %arg13[%dma_wait3A_63, %dma_wait3A_64] : memref<10016x128xf32, #tpu.memory_space<vmem_shared>> -> memref<10016x128xf32, #tpu.memory_space<vmem_shared>>
      tpu.wait_indirect_dma semaphore(%arg15 : memref<!tpu.dma_semaphore, #tpu.memory_space<semaphore_mem>>) src(%arg12 : memref<128x128xf32, #tpu.memory_space<vmem>>) dst(%dma_wait3A_65 : memref<10016x128xf32, #tpu.memory_space<vmem_shared>>)
      "tpu.region"() ({
        %run_scoped3A = tpu.sem_alloc : memref<!tpu.dma_semaphore, #tpu.memory_space<semaphore_mem>>
        %dma_start3A_130 = arith.constant 0 : i32
        %dma_start3A_131 = arith.constant 0 : i32
        %dma_start3A_132 = tpu.memref_slice %arg4[%arg1, %dma_start3A_130, %dma_start3A_131] : memref<16x80x128xi32, #tpu.memory_space<hbm>> -> memref<1x80x128xi32, #tpu.memory_space<hbm>>
        %dma_start3A_133 = tpu.memref_squeeze %dma_start3A_132 : memref<1x80x128xi32, #tpu.memory_space<hbm>> -> memref<80x128xi32, #tpu.memory_space<hbm>>
        %dma_start3A_134 = arith.constant 40 : i32
        %dma_start3A_135 = arith.constant 0 : i32
        %dma_start3A_136 = tpu.memref_slice %dma_start3A_133[%dma_start3A_134, %dma_start3A_135] : memref<80x128xi32, #tpu.memory_space<hbm>> -> memref<40x128xi32, #tpu.memory_space<hbm>>
        %dma_start3A_137 = arith.constant 0 : i32
        %dma_start3A_138 = arith.constant 0 : i32
        %dma_start3A_139 = tpu.memref_slice %arg4[%arg1, %dma_start3A_137, %dma_start3A_138] : memref<16x80x128xi32, #tpu.memory_space<hbm>> -> memref<1x80x128xi32, #tpu.memory_space<hbm>>
        %dma_start3A_140 = tpu.memref_squeeze %dma_start3A_139 : memref<1x80x128xi32, #tpu.memory_space<hbm>> -> memref<80x128xi32, #tpu.memory_space<hbm>>
        %dma_start3A_141 = arith.constant 40 : i32
        %dma_start3A_142 = arith.constant 0 : i32
        %dma_start3A_143 = tpu.memref_slice %dma_start3A_140[%dma_start3A_141, %dma_start3A_142] : memref<80x128xi32, #tpu.memory_space<hbm>> -> memref<40x128xi32, #tpu.memory_space<hbm>>
        tpu.enqueue_dma source(%dma_start3A_143 : memref<40x128xi32, #tpu.memory_space<hbm>>) target(%arg9 : memref<40x128xi32, #tpu.memory_space<vmem>>) target_semaphore(%run_scoped3A : memref<!tpu.dma_semaphore, #tpu.memory_space<semaphore_mem>>)
        %dma_wait3A_144 = arith.constant 0 : i32
        %dma_wait3A_145 = arith.constant 0 : i32
        %dma_wait3A_146 = tpu.memref_slice %arg4[%arg1, %dma_wait3A_144, %dma_wait3A_145] : memref<16x80x128xi32, #tpu.memory_space<hbm>> -> memref<1x80x128xi32, #tpu.memory_space<hbm>>
        %dma_wait3A_147 = tpu.memref_squeeze %dma_wait3A_146 : memref<1x80x128xi32, #tpu.memory_space<hbm>> -> memref<80x128xi32, #tpu.memory_space<hbm>>
        %dma_wait3A_148 = arith.constant 40 : i32
        %dma_wait3A_149 = arith.constant 0 : i32
        %dma_wait3A_150 = tpu.memref_slice %dma_wait3A_147[%dma_wait3A_148, %dma_wait3A_149] : memref<80x128xi32, #tpu.memory_space<hbm>> -> memref<40x128xi32, #tpu.memory_space<hbm>>
        %dma_wait3A_151 = arith.constant 0 : i32
        %dma_wait3A_152 = arith.constant 0 : i32
        %dma_wait3A_153 = tpu.memref_slice %arg4[%arg1, %dma_wait3A_151, %dma_wait3A_152] : memref<16x80x128xi32, #tpu.memory_space<hbm>> -> memref<1x80x128xi32, #tpu.memory_space<hbm>>
        %dma_wait3A_154 = tpu.memref_squeeze %dma_wait3A_153 : memref<1x80x128xi32, #tpu.memory_space<hbm>> -> memref<80x128xi32, #tpu.memory_space<hbm>>
        %dma_wait3A_155 = arith.constant 40 : i32
        %dma_wait3A_156 = arith.constant 0 : i32
        %dma_wait3A_157 = tpu.memref_slice %dma_wait3A_154[%dma_wait3A_155, %dma_wait3A_156] : memref<80x128xi32, #tpu.memory_space<hbm>> -> memref<40x128xi32, #tpu.memory_space<hbm>>
        tpu.wait_dma2 semaphore(%run_scoped3A : memref<!tpu.dma_semaphore, #tpu.memory_space<semaphore_mem>>) src(%dma_wait3A_157 : memref<40x128xi32, #tpu.memory_space<hbm>>) dst(%arg9 : memref<40x128xi32, #tpu.memory_space<vmem>>)
        tpu.yield
      }) : () -> ()
      "tpu.region"() ({
        %run_scoped3A = tpu.sem_alloc : memref<!tpu.dma_semaphore, #tpu.memory_space<semaphore_mem>>
        %dma_start3A_130 = arith.constant 0 : i32
        %dma_start3A_131 = arith.constant 0 : i32
        %dma_start3A_132 = tpu.memref_slice %arg5[%arg1, %dma_start3A_130, %dma_start3A_131] : memref<16x80x128xi32, #tpu.memory_space<hbm>> -> memref<1x80x128xi32, #tpu.memory_space<hbm>>
        %dma_start3A_133 = tpu.memref_squeeze %dma_start3A_132 : memref<1x80x128xi32, #tpu.memory_space<hbm>> -> memref<80x128xi32, #tpu.memory_space<hbm>>
        %dma_start3A_134 = arith.constant 40 : i32
        %dma_start3A_135 = arith.constant 0 : i32
        %dma_start3A_136 = tpu.memref_slice %dma_start3A_133[%dma_start3A_134, %dma_start3A_135] : memref<80x128xi32, #tpu.memory_space<hbm>> -> memref<40x128xi32, #tpu.memory_space<hbm>>
        %dma_start3A_137 = arith.constant 0 : i32
        %dma_start3A_138 = arith.constant 0 : i32
        %dma_start3A_139 = tpu.memref_slice %arg5[%arg1, %dma_start3A_137, %dma_start3A_138] : memref<16x80x128xi32, #tpu.memory_space<hbm>> -> memref<1x80x128xi32, #tpu.memory_space<hbm>>
        %dma_start3A_140 = tpu.memref_squeeze %dma_start3A_139 : memref<1x80x128xi32, #tpu.memory_space<hbm>> -> memref<80x128xi32, #tpu.memory_space<hbm>>
        %dma_start3A_141 = arith.constant 40 : i32
        %dma_start3A_142 = arith.constant 0 : i32
        %dma_start3A_143 = tpu.memref_slice %dma_start3A_140[%dma_start3A_141, %dma_start3A_142] : memref<80x128xi32, #tpu.memory_space<hbm>> -> memref<40x128xi32, #tpu.memory_space<hbm>>
        tpu.enqueue_dma source(%dma_start3A_143 : memref<40x128xi32, #tpu.memory_space<hbm>>) target(%arg10 : memref<40x128xi32, #tpu.memory_space<vmem>>) target_semaphore(%run_scoped3A : memref<!tpu.dma_semaphore, #tpu.memory_space<semaphore_mem>>)
        %dma_wait3A_144 = arith.constant 0 : i32
        %dma_wait3A_145 = arith.constant 0 : i32
        %dma_wait3A_146 = tpu.memref_slice %arg5[%arg1, %dma_wait3A_144, %dma_wait3A_145] : memref<16x80x128xi32, #tpu.memory_space<hbm>> -> memref<1x80x128xi32, #tpu.memory_space<hbm>>
        %dma_wait3A_147 = tpu.memref_squeeze %dma_wait3A_146 : memref<1x80x128xi32, #tpu.memory_space<hbm>> -> memref<80x128xi32, #tpu.memory_space<hbm>>
        %dma_wait3A_148 = arith.constant 40 : i32
        %dma_wait3A_149 = arith.constant 0 : i32
        %dma_wait3A_150 = tpu.memref_slice %dma_wait3A_147[%dma_wait3A_148, %dma_wait3A_149] : memref<80x128xi32, #tpu.memory_space<hbm>> -> memref<40x128xi32, #tpu.memory_space<hbm>>
        %dma_wait3A_151 = arith.constant 0 : i32
        %dma_wait3A_152 = arith.constant 0 : i32
        %dma_wait3A_153 = tpu.memref_slice %arg5[%arg1, %dma_wait3A_151, %dma_wait3A_152] : memref<16x80x128xi32, #tpu.memory_space<hbm>> -> memref<1x80x128xi32, #tpu.memory_space<hbm>>
        %dma_wait3A_154 = tpu.memref_squeeze %dma_wait3A_153 : memref<1x80x128xi32, #tpu.memory_space<hbm>> -> memref<80x128xi32, #tpu.memory_space<hbm>>
        %dma_wait3A_155 = arith.constant 40 : i32
        %dma_wait3A_156 = arith.constant 0 : i32
        %dma_wait3A_157 = tpu.memref_slice %dma_wait3A_154[%dma_wait3A_155, %dma_wait3A_156] : memref<80x128xi32, #tpu.memory_space<hbm>> -> memref<40x128xi32, #tpu.memory_space<hbm>>
        tpu.wait_dma2 semaphore(%run_scoped3A : memref<!tpu.dma_semaphore, #tpu.memory_space<semaphore_mem>>) src(%dma_wait3A_157 : memref<40x128xi32, #tpu.memory_space<hbm>>) dst(%arg10 : memref<40x128xi32, #tpu.memory_space<vmem>>)
        tpu.yield
      }) : () -> ()
      %dma_start3A_66 = arith.constant 0 : i32
      %dma_start3A_67 = arith.constant 0 : i32
      %dma_start3A_68 = tpu.memref_slice %arg9[%dma_start3A_66, %dma_start3A_67] : memref<40x128xi32, #tpu.memory_space<vmem>> -> memref<1x128xi32, #tpu.memory_space<vmem>>
      %dma_start3A_69 = tpu.memref_squeeze %dma_start3A_68 : memref<1x128xi32, #tpu.memory_space<vmem>> -> memref<128xi32, #tpu.memory_space<vmem>>
      %dma_start3A_70 = arith.constant 0 : i32
      %dma_start3A_71 = arith.constant 0 : i32
      %dma_start3A_72 = tpu.memref_slice %arg2[%dma_start3A_70, %dma_start3A_71] : memref<10000x128xf32, #tpu.memory_space<hbm>> -> memref<10000x128xf32, #tpu.memory_space<hbm>>
      tpu.enqueue_indirect_dma source(%dma_start3A_72 : memref<10000x128xf32, #tpu.memory_space<hbm>>) target(%arg11 : memref<128x128xf32, #tpu.memory_space<vmem>>) offsets(%dma_start3A_69 : memref<128xi32, #tpu.memory_space<vmem>>) semaphore(%arg14 : memref<!tpu.dma_semaphore, #tpu.memory_space<semaphore_mem>>)
      %scan3A_73 = arith.constant 0 : i32
      %scan3A_74 = arith.constant 19 : i32
      %scan3A_75 = arith.addi %scan3A_73, %scan3A_74 : i32
      %scan3A_76 = arith.constant 1 : i32
      scf.for %scan3A_130 = %scan3A_73 to %scan3A_75 step %scan3A_76  : i32 {
        %mul3A_131 = arith.constant 1 : i32
        %mul3A_132 = arith.muli %scan3A_130, %mul3A_131 : i32
        %add3A = arith.constant 0 : i32
        %add3A_133 = arith.addi %add3A, %mul3A_132 : i32
        %mul3A_134 = arith.constant 2 : i32
        %mul3A_135 = arith.muli %mul3A_134, %add3A_133 : i32
        %add3A_136 = arith.constant 1 : i32
        %add3A_137 = arith.addi %add3A_136, %mul3A_135 : i32
        %dma_start3A_138 = arith.constant 0 : i32
        %dma_start3A_139 = tpu.memref_slice %arg9[%add3A_137, %dma_start3A_138] : memref<40x128xi32, #tpu.memory_space<vmem>> -> memref<1x128xi32, #tpu.memory_space<vmem>>
        %dma_start3A_140 = tpu.memref_squeeze %dma_start3A_139 : memref<1x128xi32, #tpu.memory_space<vmem>> -> memref<128xi32, #tpu.memory_space<vmem>>
        %dma_start3A_141 = arith.constant 0 : i32
        %dma_start3A_142 = arith.constant 0 : i32
        %dma_start3A_143 = tpu.memref_slice %arg2[%dma_start3A_141, %dma_start3A_142] : memref<10000x128xf32, #tpu.memory_space<hbm>> -> memref<10000x128xf32, #tpu.memory_space<hbm>>
        tpu.enqueue_indirect_dma source(%dma_start3A_143 : memref<10000x128xf32, #tpu.memory_space<hbm>>) target(%arg12 : memref<128x128xf32, #tpu.memory_space<vmem>>) offsets(%dma_start3A_140 : memref<128xi32, #tpu.memory_space<vmem>>) semaphore(%arg15 : memref<!tpu.dma_semaphore, #tpu.memory_space<semaphore_mem>>)
        %mul3A_144 = arith.constant 2 : i32
        %mul3A_145 = arith.muli %mul3A_144, %add3A_133 : i32
        %dma_wait3A_146 = arith.constant 0 : i32
        %dma_wait3A_147 = tpu.memref_slice %arg9[%mul3A_145, %dma_wait3A_146] : memref<40x128xi32, #tpu.memory_space<vmem>> -> memref<1x128xi32, #tpu.memory_space<vmem>>
        %dma_wait3A_148 = tpu.memref_squeeze %dma_wait3A_147 : memref<1x128xi32, #tpu.memory_space<vmem>> -> memref<128xi32, #tpu.memory_space<vmem>>
        %dma_wait3A_149 = arith.constant 0 : i32
        %dma_wait3A_150 = arith.constant 0 : i32
        %dma_wait3A_151 = tpu.memref_slice %arg2[%dma_wait3A_149, %dma_wait3A_150] : memref<10000x128xf32, #tpu.memory_space<hbm>> -> memref<10000x128xf32, #tpu.memory_space<hbm>>
        tpu.wait_indirect_dma semaphore(%arg14 : memref<!tpu.dma_semaphore, #tpu.memory_space<semaphore_mem>>) src(%dma_wait3A_151 : memref<10000x128xf32, #tpu.memory_space<hbm>>) dst(%arg11 : memref<128x128xf32, #tpu.memory_space<vmem>>)
        %mul3A_152 = arith.constant 2 : i32
        %mul3A_153 = arith.muli %mul3A_152, %add3A_133 : i32
        %dma_start3A_154 = arith.constant 0 : i32
        %dma_start3A_155 = tpu.memref_slice %arg10[%mul3A_153, %dma_start3A_154] : memref<40x128xi32, #tpu.memory_space<vmem>> -> memref<1x128xi32, #tpu.memory_space<vmem>>
        %dma_start3A_156 = tpu.memref_squeeze %dma_start3A_155 : memref<1x128xi32, #tpu.memory_space<vmem>> -> memref<128xi32, #tpu.memory_space<vmem>>
        %dma_start3A_157 = arith.constant 0 : i32
        %dma_start3A_158 = arith.constant 0 : i32
        %dma_start3A_159 = tpu.memref_slice %arg13[%dma_start3A_157, %dma_start3A_158] : memref<10016x128xf32, #tpu.memory_space<vmem_shared>> -> memref<10016x128xf32, #tpu.memory_space<vmem_shared>>
        tpu.enqueue_indirect_dma source(%arg11 : memref<128x128xf32, #tpu.memory_space<vmem>>) target(%dma_start3A_159 : memref<10016x128xf32, #tpu.memory_space<vmem_shared>>) offsets(%dma_start3A_156 : memref<128xi32, #tpu.memory_space<vmem>>) semaphore(%arg14 : memref<!tpu.dma_semaphore, #tpu.memory_space<semaphore_mem>>) {add = true}
        %dma_wait3A_160 = arith.constant 0 : i32
        %dma_wait3A_161 = tpu.memref_slice %arg10[%mul3A_153, %dma_wait3A_160] : memref<40x128xi32, #tpu.memory_space<vmem>> -> memref<1x128xi32, #tpu.memory_space<vmem>>
        %dma_wait3A_162 = tpu.memref_squeeze %dma_wait3A_161 : memref<1x128xi32, #tpu.memory_space<vmem>> -> memref<128xi32, #tpu.memory_space<vmem>>
        %dma_wait3A_163 = arith.constant 0 : i32
        %dma_wait3A_164 = arith.constant 0 : i32
        %dma_wait3A_165 = tpu.memref_slice %arg13[%dma_wait3A_163, %dma_wait3A_164] : memref<10016x128xf32, #tpu.memory_space<vmem_shared>> -> memref<10016x128xf32, #tpu.memory_space<vmem_shared>>
        tpu.wait_indirect_dma semaphore(%arg14 : memref<!tpu.dma_semaphore, #tpu.memory_space<semaphore_mem>>) src(%arg11 : memref<128x128xf32, #tpu.memory_space<vmem>>) dst(%dma_wait3A_165 : memref<10016x128xf32, #tpu.memory_space<vmem_shared>>)
        %add3A_166 = arith.constant 1 : i32
        %add3A_167 = arith.addi %add3A_137, %add3A_166 : i32
        %dma_start3A_168 = arith.constant 0 : i32
        %dma_start3A_169 = tpu.memref_slice %arg9[%add3A_167, %dma_start3A_168] : memref<40x128xi32, #tpu.memory_space<vmem>> -> memref<1x128xi32, #tpu.memory_space<vmem>>
        %dma_start3A_170 = tpu.memref_squeeze %dma_start3A_169 : memref<1x128xi32, #tpu.memory_space<vmem>> -> memref<128xi32, #tpu.memory_space<vmem>>
        %dma_start3A_171 = arith.constant 0 : i32
        %dma_start3A_172 = arith.constant 0 : i32
        %dma_start3A_173 = tpu.memref_slice %arg2[%dma_start3A_171, %dma_start3A_172] : memref<10000x128xf32, #tpu.memory_space<hbm>> -> memref<10000x128xf32, #tpu.memory_space<hbm>>
        tpu.enqueue_indirect_dma source(%dma_start3A_173 : memref<10000x128xf32, #tpu.memory_space<hbm>>) target(%arg11 : memref<128x128xf32, #tpu.memory_space<vmem>>) offsets(%dma_start3A_170 : memref<128xi32, #tpu.memory_space<vmem>>) semaphore(%arg14 : memref<!tpu.dma_semaphore, #tpu.memory_space<semaphore_mem>>)
        %dma_wait3A_174 = arith.constant 0 : i32
        %dma_wait3A_175 = tpu.memref_slice %arg9[%add3A_137, %dma_wait3A_174] : memref<40x128xi32, #tpu.memory_space<vmem>> -> memref<1x128xi32, #tpu.memory_space<vmem>>
        %dma_wait3A_176 = tpu.memref_squeeze %dma_wait3A_175 : memref<1x128xi32, #tpu.memory_space<vmem>> -> memref<128xi32, #tpu.memory_space<vmem>>
        %dma_wait3A_177 = arith.constant 0 : i32
        %dma_wait3A_178 = arith.constant 0 : i32
        %dma_wait3A_179 = tpu.memref_slice %arg2[%dma_wait3A_177, %dma_wait3A_178] : memref<10000x128xf32, #tpu.memory_space<hbm>> -> memref<10000x128xf32, #tpu.memory_space<hbm>>
        tpu.wait_indirect_dma semaphore(%arg15 : memref<!tpu.dma_semaphore, #tpu.memory_space<semaphore_mem>>) src(%dma_wait3A_179 : memref<10000x128xf32, #tpu.memory_space<hbm>>) dst(%arg12 : memref<128x128xf32, #tpu.memory_space<vmem>>)
        %dma_start3A_180 = arith.constant 0 : i32
        %dma_start3A_181 = tpu.memref_slice %arg10[%add3A_137, %dma_start3A_180] : memref<40x128xi32, #tpu.memory_space<vmem>> -> memref<1x128xi32, #tpu.memory_space<vmem>>
        %dma_start3A_182 = tpu.memref_squeeze %dma_start3A_181 : memref<1x128xi32, #tpu.memory_space<vmem>> -> memref<128xi32, #tpu.memory_space<vmem>>
        %dma_start3A_183 = arith.constant 0 : i32
        %dma_start3A_184 = arith.constant 0 : i32
        %dma_start3A_185 = tpu.memref_slice %arg13[%dma_start3A_183, %dma_start3A_184] : memref<10016x128xf32, #tpu.memory_space<vmem_shared>> -> memref<10016x128xf32, #tpu.memory_space<vmem_shared>>
        tpu.enqueue_indirect_dma source(%arg12 : memref<128x128xf32, #tpu.memory_space<vmem>>) target(%dma_start3A_185 : memref<10016x128xf32, #tpu.memory_space<vmem_shared>>) offsets(%dma_start3A_182 : memref<128xi32, #tpu.memory_space<vmem>>) semaphore(%arg15 : memref<!tpu.dma_semaphore, #tpu.memory_space<semaphore_mem>>) {add = true}
        %dma_wait3A_186 = arith.constant 0 : i32
        %dma_wait3A_187 = tpu.memref_slice %arg10[%add3A_137, %dma_wait3A_186] : memref<40x128xi32, #tpu.memory_space<vmem>> -> memref<1x128xi32, #tpu.memory_space<vmem>>
        %dma_wait3A_188 = tpu.memref_squeeze %dma_wait3A_187 : memref<1x128xi32, #tpu.memory_space<vmem>> -> memref<128xi32, #tpu.memory_space<vmem>>
        %dma_wait3A_189 = arith.constant 0 : i32
        %dma_wait3A_190 = arith.constant 0 : i32
        %dma_wait3A_191 = tpu.memref_slice %arg13[%dma_wait3A_189, %dma_wait3A_190] : memref<10016x128xf32, #tpu.memory_space<vmem_shared>> -> memref<10016x128xf32, #tpu.memory_space<vmem_shared>>
        tpu.wait_indirect_dma semaphore(%arg15 : memref<!tpu.dma_semaphore, #tpu.memory_space<semaphore_mem>>) src(%arg12 : memref<128x128xf32, #tpu.memory_space<vmem>>) dst(%dma_wait3A_191 : memref<10016x128xf32, #tpu.memory_space<vmem_shared>>)
      }
      %scan3A_77 = arith.constant 19 : i32
      %dma_start3A_78 = arith.constant 39 : i32
      %dma_start3A_79 = arith.constant 0 : i32
      %dma_start3A_80 = tpu.memref_slice %arg9[%dma_start3A_78, %dma_start3A_79] : memref<40x128xi32, #tpu.memory_space<vmem>> -> memref<1x128xi32, #tpu.memory_space<vmem>>
      %dma_start3A_81 = tpu.memref_squeeze %dma_start3A_80 : memref<1x128xi32, #tpu.memory_space<vmem>> -> memref<128xi32, #tpu.memory_space<vmem>>
      %dma_start3A_82 = arith.constant 0 : i32
      %dma_start3A_83 = arith.constant 0 : i32
      %dma_start3A_84 = tpu.memref_slice %arg2[%dma_start3A_82, %dma_start3A_83] : memref<10000x128xf32, #tpu.memory_space<hbm>> -> memref<10000x128xf32, #tpu.memory_space<hbm>>
      tpu.enqueue_indirect_dma source(%dma_start3A_84 : memref<10000x128xf32, #tpu.memory_space<hbm>>) target(%arg12 : memref<128x128xf32, #tpu.memory_space<vmem>>) offsets(%dma_start3A_81 : memref<128xi32, #tpu.memory_space<vmem>>) semaphore(%arg15 : memref<!tpu.dma_semaphore, #tpu.memory_space<semaphore_mem>>)
      %dma_wait3A_85 = arith.constant 38 : i32
      %dma_wait3A_86 = arith.constant 0 : i32
      %dma_wait3A_87 = tpu.memref_slice %arg9[%dma_wait3A_85, %dma_wait3A_86] : memref<40x128xi32, #tpu.memory_space<vmem>> -> memref<1x128xi32, #tpu.memory_space<vmem>>
      %dma_wait3A_88 = tpu.memref_squeeze %dma_wait3A_87 : memref<1x128xi32, #tpu.memory_space<vmem>> -> memref<128xi32, #tpu.memory_space<vmem>>
      %dma_wait3A_89 = arith.constant 0 : i32
      %dma_wait3A_90 = arith.constant 0 : i32
      %dma_wait3A_91 = tpu.memref_slice %arg2[%dma_wait3A_89, %dma_wait3A_90] : memref<10000x128xf32, #tpu.memory_space<hbm>> -> memref<10000x128xf32, #tpu.memory_space<hbm>>
      tpu.wait_indirect_dma semaphore(%arg14 : memref<!tpu.dma_semaphore, #tpu.memory_space<semaphore_mem>>) src(%dma_wait3A_91 : memref<10000x128xf32, #tpu.memory_space<hbm>>) dst(%arg11 : memref<128x128xf32, #tpu.memory_space<vmem>>)
      %dma_start3A_92 = arith.constant 38 : i32
      %dma_start3A_93 = arith.constant 0 : i32
      %dma_start3A_94 = tpu.memref_slice %arg10[%dma_start3A_92, %dma_start3A_93] : memref<40x128xi32, #tpu.memory_space<vmem>> -> memref<1x128xi32, #tpu.memory_space<vmem>>
      %dma_start3A_95 = tpu.memref_squeeze %dma_start3A_94 : memref<1x128xi32, #tpu.memory_space<vmem>> -> memref<128xi32, #tpu.memory_space<vmem>>
      %dma_start3A_96 = arith.constant 0 : i32
      %dma_start3A_97 = arith.constant 0 : i32
      %dma_start3A_98 = tpu.memref_slice %arg13[%dma_start3A_96, %dma_start3A_97] : memref<10016x128xf32, #tpu.memory_space<vmem_shared>> -> memref<10016x128xf32, #tpu.memory_space<vmem_shared>>
      tpu.enqueue_indirect_dma source(%arg11 : memref<128x128xf32, #tpu.memory_space<vmem>>) target(%dma_start3A_98 : memref<10016x128xf32, #tpu.memory_space<vmem_shared>>) offsets(%dma_start3A_95 : memref<128xi32, #tpu.memory_space<vmem>>) semaphore(%arg14 : memref<!tpu.dma_semaphore, #tpu.memory_space<semaphore_mem>>) {add = true}
      %dma_wait3A_99 = arith.constant 38 : i32
      %dma_wait3A_100 = arith.constant 0 : i32
      %dma_wait3A_101 = tpu.memref_slice %arg10[%dma_wait3A_99, %dma_wait3A_100] : memref<40x128xi32, #tpu.memory_space<vmem>> -> memref<1x128xi32, #tpu.memory_space<vmem>>
      %dma_wait3A_102 = tpu.memref_squeeze %dma_wait3A_101 : memref<1x128xi32, #tpu.memory_space<vmem>> -> memref<128xi32, #tpu.memory_space<vmem>>
      %dma_wait3A_103 = arith.constant 0 : i32
      %dma_wait3A_104 = arith.constant 0 : i32
      %dma_wait3A_105 = tpu.memref_slice %arg13[%dma_wait3A_103, %dma_wait3A_104] : memref<10016x128xf32, #tpu.memory_space<vmem_shared>> -> memref<10016x128xf32, #tpu.memory_space<vmem_shared>>
      tpu.wait_indirect_dma semaphore(%arg14 : memref<!tpu.dma_semaphore, #tpu.memory_space<semaphore_mem>>) src(%arg11 : memref<128x128xf32, #tpu.memory_space<vmem>>) dst(%dma_wait3A_105 : memref<10016x128xf32, #tpu.memory_space<vmem_shared>>)
      %dma_wait3A_106 = arith.constant 39 : i32
      %dma_wait3A_107 = arith.constant 0 : i32
      %dma_wait3A_108 = tpu.memref_slice %arg9[%dma_wait3A_106, %dma_wait3A_107] : memref<40x128xi32, #tpu.memory_space<vmem>> -> memref<1x128xi32, #tpu.memory_space<vmem>>
      %dma_wait3A_109 = tpu.memref_squeeze %dma_wait3A_108 : memref<1x128xi32, #tpu.memory_space<vmem>> -> memref<128xi32, #tpu.memory_space<vmem>>
      %dma_wait3A_110 = arith.constant 0 : i32
      %dma_wait3A_111 = arith.constant 0 : i32
      %dma_wait3A_112 = tpu.memref_slice %arg2[%dma_wait3A_110, %dma_wait3A_111] : memref<10000x128xf32, #tpu.memory_space<hbm>> -> memref<10000x128xf32, #tpu.memory_space<hbm>>
      tpu.wait_indirect_dma semaphore(%arg15 : memref<!tpu.dma_semaphore, #tpu.memory_space<semaphore_mem>>) src(%dma_wait3A_112 : memref<10000x128xf32, #tpu.memory_space<hbm>>) dst(%arg12 : memref<128x128xf32, #tpu.memory_space<vmem>>)
      %dma_start3A_113 = arith.constant 39 : i32
      %dma_start3A_114 = arith.constant 0 : i32
      %dma_start3A_115 = tpu.memref_slice %arg10[%dma_start3A_113, %dma_start3A_114] : memref<40x128xi32, #tpu.memory_space<vmem>> -> memref<1x128xi32, #tpu.memory_space<vmem>>
      %dma_start3A_116 = tpu.memref_squeeze %dma_start3A_115 : memref<1x128xi32, #tpu.memory_space<vmem>> -> memref<128xi32, #tpu.memory_space<vmem>>
      %dma_start3A_117 = arith.constant 0 : i32
      %dma_start3A_118 = arith.constant 0 : i32
      %dma_start3A_119 = tpu.memref_slice %arg13[%dma_start3A_117, %dma_start3A_118] : memref<10016x128xf32, #tpu.memory_space<vmem_shared>> -> memref<10016x128xf32, #tpu.memory_space<vmem_shared>>
      tpu.enqueue_indirect_dma source(%arg12 : memref<128x128xf32, #tpu.memory_space<vmem>>) target(%dma_start3A_119 : memref<10016x128xf32, #tpu.memory_space<vmem_shared>>) offsets(%dma_start3A_116 : memref<128xi32, #tpu.memory_space<vmem>>) semaphore(%arg15 : memref<!tpu.dma_semaphore, #tpu.memory_space<semaphore_mem>>) {add = true}
      %dma_wait3A_120 = arith.constant 39 : i32
      %dma_wait3A_121 = arith.constant 0 : i32
      %dma_wait3A_122 = tpu.memref_slice %arg10[%dma_wait3A_120, %dma_wait3A_121] : memref<40x128xi32, #tpu.memory_space<vmem>> -> memref<1x128xi32, #tpu.memory_space<vmem>>
      %dma_wait3A_123 = tpu.memref_squeeze %dma_wait3A_122 : memref<1x128xi32, #tpu.memory_space<vmem>> -> memref<128xi32, #tpu.memory_space<vmem>>
      %dma_wait3A_124 = arith.constant 0 : i32
      %dma_wait3A_125 = arith.constant 0 : i32
      %dma_wait3A_126 = tpu.memref_slice %arg13[%dma_wait3A_124, %dma_wait3A_125] : memref<10016x128xf32, #tpu.memory_space<vmem_shared>> -> memref<10016x128xf32, #tpu.memory_space<vmem_shared>>
      tpu.wait_indirect_dma semaphore(%arg15 : memref<!tpu.dma_semaphore, #tpu.memory_space<semaphore_mem>>) src(%arg12 : memref<128x128xf32, #tpu.memory_space<vmem>>) dst(%dma_wait3A_126 : memref<10016x128xf32, #tpu.memory_space<vmem_shared>>)
      %barrier3A_127 = arith.constant 0 : index
      tpu.barrier barrier_id(%barrier3A_127)
      %mul3A_128 = arith.constant 626 : i32
      %mul3A_129 = arith.muli %arg1, %mul3A_128 : i32
      "tpu.region"() ({
        %run_scoped3A = tpu.sem_alloc : memref<!tpu.dma_semaphore, #tpu.memory_space<semaphore_mem>>
        %dma_start3A_130 = arith.constant 0 : i32
        %dma_start3A_131 = arith.constant 0 : i32
        %dma_start3A_132 = tpu.memref_slice %arg7[%arg1, %dma_start3A_130, %dma_start3A_131] : memref<16x626x128xf32, #tpu.memory_space<hbm>> -> memref<1x626x128xf32, #tpu.memory_space<hbm>>
        %dma_start3A_133 = tpu.memref_squeeze %dma_start3A_132 : memref<1x626x128xf32, #tpu.memory_space<hbm>> -> memref<626x128xf32, #tpu.memory_space<hbm>>
        %dma_start3A_134 = arith.constant 0 : i32
        %dma_start3A_135 = tpu.memref_slice %arg13[%mul3A_129, %dma_start3A_134] : memref<10016x128xf32, #tpu.memory_space<vmem_shared>> -> memref<626x128xf32, #tpu.memory_space<vmem_shared>>
        tpu.enqueue_dma source(%dma_start3A_135 : memref<626x128xf32, #tpu.memory_space<vmem_shared>>) target(%dma_start3A_133 : memref<626x128xf32, #tpu.memory_space<hbm>>) target_semaphore(%run_scoped3A : memref<!tpu.dma_semaphore, #tpu.memory_space<semaphore_mem>>)
        %dma_wait3A_136 = arith.constant 0 : i32
        %dma_wait3A_137 = arith.constant 0 : i32
        %dma_wait3A_138 = tpu.memref_slice %arg7[%arg1, %dma_wait3A_136, %dma_wait3A_137] : memref<16x626x128xf32, #tpu.memory_space<hbm>> -> memref<1x626x128xf32, #tpu.memory_space<hbm>>
        %dma_wait3A_139 = tpu.memref_squeeze %dma_wait3A_138 : memref<1x626x128xf32, #tpu.memory_space<hbm>> -> memref<626x128xf32, #tpu.memory_space<hbm>>
        %dma_wait3A_140 = arith.constant 0 : i32
        %dma_wait3A_141 = tpu.memref_slice %arg13[%mul3A_129, %dma_wait3A_140] : memref<10016x128xf32, #tpu.memory_space<vmem_shared>> -> memref<626x128xf32, #tpu.memory_space<vmem_shared>>
        tpu.wait_dma2 semaphore(%run_scoped3A : memref<!tpu.dma_semaphore, #tpu.memory_space<semaphore_mem>>) src(%dma_wait3A_141 : memref<626x128xf32, #tpu.memory_space<vmem_shared>>) dst(%dma_wait3A_139 : memref<626x128xf32, #tpu.memory_space<hbm>>)
        tpu.yield
      }) : () -> ()
    } else {
    }
    %eq3A_3 = arith.constant 1 : i32
    %eq3A_4 = arith.cmpi eq, %arg0, %eq3A_3 : i32
    %convert_element_type3A_5 = arith.extui %eq3A_4 : i1 to i32
    %cond3A_6 = arith.constant 0 : i32
    %cond3A_7 = arith.cmpi ne, %convert_element_type3A_5, %cond3A_6 : i32
    scf.if %cond3A_7 {
      "tpu.region"() ({
        %run_scoped3A = tpu.sem_alloc : memref<!tpu.dma_semaphore, #tpu.memory_space<semaphore_mem>>
        %dma_start3A_130 = arith.constant 0 : i32
        %dma_start3A_131 = arith.constant 0 : i32
        %dma_start3A_132 = tpu.memref_slice %arg4[%arg1, %dma_start3A_130, %dma_start3A_131] : memref<16x80x128xi32, #tpu.memory_space<hbm>> -> memref<1x80x128xi32, #tpu.memory_space<hbm>>
        %dma_start3A_133 = tpu.memref_squeeze %dma_start3A_132 : memref<1x80x128xi32, #tpu.memory_space<hbm>> -> memref<80x128xi32, #tpu.memory_space<hbm>>
        %dma_start3A_134 = arith.constant 0 : i32
        %dma_start3A_135 = arith.constant 0 : i32
        %dma_start3A_136 = tpu.memref_slice %dma_start3A_133[%dma_start3A_134, %dma_start3A_135] : memref<80x128xi32, #tpu.memory_space<hbm>> -> memref<40x128xi32, #tpu.memory_space<hbm>>
        %dma_start3A_137 = arith.constant 0 : i32
        %dma_start3A_138 = arith.constant 0 : i32
        %dma_start3A_139 = tpu.memref_slice %arg4[%arg1, %dma_start3A_137, %dma_start3A_138] : memref<16x80x128xi32, #tpu.memory_space<hbm>> -> memref<1x80x128xi32, #tpu.memory_space<hbm>>
        %dma_start3A_140 = tpu.memref_squeeze %dma_start3A_139 : memref<1x80x128xi32, #tpu.memory_space<hbm>> -> memref<80x128xi32, #tpu.memory_space<hbm>>
        %dma_start3A_141 = arith.constant 0 : i32
        %dma_start3A_142 = arith.constant 0 : i32
        %dma_start3A_143 = tpu.memref_slice %dma_start3A_140[%dma_start3A_141, %dma_start3A_142] : memref<80x128xi32, #tpu.memory_space<hbm>> -> memref<40x128xi32, #tpu.memory_space<hbm>>
        tpu.enqueue_dma source(%dma_start3A_143 : memref<40x128xi32, #tpu.memory_space<hbm>>) target(%arg9 : memref<40x128xi32, #tpu.memory_space<vmem>>) target_semaphore(%run_scoped3A : memref<!tpu.dma_semaphore, #tpu.memory_space<semaphore_mem>>)
        %dma_wait3A_144 = arith.constant 0 : i32
        %dma_wait3A_145 = arith.constant 0 : i32
        %dma_wait3A_146 = tpu.memref_slice %arg4[%arg1, %dma_wait3A_144, %dma_wait3A_145] : memref<16x80x128xi32, #tpu.memory_space<hbm>> -> memref<1x80x128xi32, #tpu.memory_space<hbm>>
        %dma_wait3A_147 = tpu.memref_squeeze %dma_wait3A_146 : memref<1x80x128xi32, #tpu.memory_space<hbm>> -> memref<80x128xi32, #tpu.memory_space<hbm>>
        %dma_wait3A_148 = arith.constant 0 : i32
        %dma_wait3A_149 = arith.constant 0 : i32
        %dma_wait3A_150 = tpu.memref_slice %dma_wait3A_147[%dma_wait3A_148, %dma_wait3A_149] : memref<80x128xi32, #tpu.memory_space<hbm>> -> memref<40x128xi32, #tpu.memory_space<hbm>>
        %dma_wait3A_151 = arith.constant 0 : i32
        %dma_wait3A_152 = arith.constant 0 : i32
        %dma_wait3A_153 = tpu.memref_slice %arg4[%arg1, %dma_wait3A_151, %dma_wait3A_152] : memref<16x80x128xi32, #tpu.memory_space<hbm>> -> memref<1x80x128xi32, #tpu.memory_space<hbm>>
        %dma_wait3A_154 = tpu.memref_squeeze %dma_wait3A_153 : memref<1x80x128xi32, #tpu.memory_space<hbm>> -> memref<80x128xi32, #tpu.memory_space<hbm>>
        %dma_wait3A_155 = arith.constant 0 : i32
        %dma_wait3A_156 = arith.constant 0 : i32
        %dma_wait3A_157 = tpu.memref_slice %dma_wait3A_154[%dma_wait3A_155, %dma_wait3A_156] : memref<80x128xi32, #tpu.memory_space<hbm>> -> memref<40x128xi32, #tpu.memory_space<hbm>>
        tpu.wait_dma2 semaphore(%run_scoped3A : memref<!tpu.dma_semaphore, #tpu.memory_space<semaphore_mem>>) src(%dma_wait3A_157 : memref<40x128xi32, #tpu.memory_space<hbm>>) dst(%arg9 : memref<40x128xi32, #tpu.memory_space<vmem>>)
        tpu.yield
      }) : () -> ()
      "tpu.region"() ({
        %run_scoped3A = tpu.sem_alloc : memref<!tpu.dma_semaphore, #tpu.memory_space<semaphore_mem>>
        %dma_start3A_130 = arith.constant 0 : i32
        %dma_start3A_131 = arith.constant 0 : i32
        %dma_start3A_132 = tpu.memref_slice %arg5[%arg1, %dma_start3A_130, %dma_start3A_131] : memref<16x80x128xi32, #tpu.memory_space<hbm>> -> memref<1x80x128xi32, #tpu.memory_space<hbm>>
        %dma_start3A_133 = tpu.memref_squeeze %dma_start3A_132 : memref<1x80x128xi32, #tpu.memory_space<hbm>> -> memref<80x128xi32, #tpu.memory_space<hbm>>
        %dma_start3A_134 = arith.constant 0 : i32
        %dma_start3A_135 = arith.constant 0 : i32
        %dma_start3A_136 = tpu.memref_slice %dma_start3A_133[%dma_start3A_134, %dma_start3A_135] : memref<80x128xi32, #tpu.memory_space<hbm>> -> memref<40x128xi32, #tpu.memory_space<hbm>>
        %dma_start3A_137 = arith.constant 0 : i32
        %dma_start3A_138 = arith.constant 0 : i32
        %dma_start3A_139 = tpu.memref_slice %arg5[%arg1, %dma_start3A_137, %dma_start3A_138] : memref<16x80x128xi32, #tpu.memory_space<hbm>> -> memref<1x80x128xi32, #tpu.memory_space<hbm>>
        %dma_start3A_140 = tpu.memref_squeeze %dma_start3A_139 : memref<1x80x128xi32, #tpu.memory_space<hbm>> -> memref<80x128xi32, #tpu.memory_space<hbm>>
        %dma_start3A_141 = arith.constant 0 : i32
        %dma_start3A_142 = arith.constant 0 : i32
        %dma_start3A_143 = tpu.memref_slice %dma_start3A_140[%dma_start3A_141, %dma_start3A_142] : memref<80x128xi32, #tpu.memory_space<hbm>> -> memref<40x128xi32, #tpu.memory_space<hbm>>
        tpu.enqueue_dma source(%dma_start3A_143 : memref<40x128xi32, #tpu.memory_space<hbm>>) target(%arg10 : memref<40x128xi32, #tpu.memory_space<vmem>>) target_semaphore(%run_scoped3A : memref<!tpu.dma_semaphore, #tpu.memory_space<semaphore_mem>>)
        %dma_wait3A_144 = arith.constant 0 : i32
        %dma_wait3A_145 = arith.constant 0 : i32
        %dma_wait3A_146 = tpu.memref_slice %arg5[%arg1, %dma_wait3A_144, %dma_wait3A_145] : memref<16x80x128xi32, #tpu.memory_space<hbm>> -> memref<1x80x128xi32, #tpu.memory_space<hbm>>
        %dma_wait3A_147 = tpu.memref_squeeze %dma_wait3A_146 : memref<1x80x128xi32, #tpu.memory_space<hbm>> -> memref<80x128xi32, #tpu.memory_space<hbm>>
        %dma_wait3A_148 = arith.constant 0 : i32
        %dma_wait3A_149 = arith.constant 0 : i32
        %dma_wait3A_150 = tpu.memref_slice %dma_wait3A_147[%dma_wait3A_148, %dma_wait3A_149] : memref<80x128xi32, #tpu.memory_space<hbm>> -> memref<40x128xi32, #tpu.memory_space<hbm>>
        %dma_wait3A_151 = arith.constant 0 : i32
        %dma_wait3A_152 = arith.constant 0 : i32
        %dma_wait3A_153 = tpu.memref_slice %arg5[%arg1, %dma_wait3A_151, %dma_wait3A_152] : memref<16x80x128xi32, #tpu.memory_space<hbm>> -> memref<1x80x128xi32, #tpu.memory_space<hbm>>
        %dma_wait3A_154 = tpu.memref_squeeze %dma_wait3A_153 : memref<1x80x128xi32, #tpu.memory_space<hbm>> -> memref<80x128xi32, #tpu.memory_space<hbm>>
        %dma_wait3A_155 = arith.constant 0 : i32
        %dma_wait3A_156 = arith.constant 0 : i32
        %dma_wait3A_157 = tpu.memref_slice %dma_wait3A_154[%dma_wait3A_155, %dma_wait3A_156] : memref<80x128xi32, #tpu.memory_space<hbm>> -> memref<40x128xi32, #tpu.memory_space<hbm>>
        tpu.wait_dma2 semaphore(%run_scoped3A : memref<!tpu.dma_semaphore, #tpu.memory_space<semaphore_mem>>) src(%dma_wait3A_157 : memref<40x128xi32, #tpu.memory_space<hbm>>) dst(%arg10 : memref<40x128xi32, #tpu.memory_space<vmem>>)
        tpu.yield
      }) : () -> ()
      %dma_start3A = arith.constant 0 : i32
      %dma_start3A_8 = arith.constant 0 : i32
      %dma_start3A_9 = tpu.memref_slice %arg9[%dma_start3A, %dma_start3A_8] : memref<40x128xi32, #tpu.memory_space<vmem>> -> memref<1x128xi32, #tpu.memory_space<vmem>>
      %dma_start3A_10 = tpu.memref_squeeze %dma_start3A_9 : memref<1x128xi32, #tpu.memory_space<vmem>> -> memref<128xi32, #tpu.memory_space<vmem>>
      %dma_start3A_11 = arith.constant 0 : i32
      %dma_start3A_12 = arith.constant 0 : i32
      %dma_start3A_13 = tpu.memref_slice %arg3[%dma_start3A_11, %dma_start3A_12] : memref<10000x128xf32, #tpu.memory_space<hbm>> -> memref<10000x128xf32, #tpu.memory_space<hbm>>
      tpu.enqueue_indirect_dma source(%dma_start3A_13 : memref<10000x128xf32, #tpu.memory_space<hbm>>) target(%arg11 : memref<128x128xf32, #tpu.memory_space<vmem>>) offsets(%dma_start3A_10 : memref<128xi32, #tpu.memory_space<vmem>>) semaphore(%arg14 : memref<!tpu.dma_semaphore, #tpu.memory_space<semaphore_mem>>)
      %scan3A = arith.constant 0 : i32
      %scan3A_14 = arith.constant 19 : i32
      %scan3A_15 = arith.addi %scan3A, %scan3A_14 : i32
      %scan3A_16 = arith.constant 1 : i32
      scf.for %scan3A_130 = %scan3A to %scan3A_15 step %scan3A_16  : i32 {
        %mul3A_131 = arith.constant 1 : i32
        %mul3A_132 = arith.muli %scan3A_130, %mul3A_131 : i32
        %add3A = arith.constant 0 : i32
        %add3A_133 = arith.addi %add3A, %mul3A_132 : i32
        %mul3A_134 = arith.constant 2 : i32
        %mul3A_135 = arith.muli %mul3A_134, %add3A_133 : i32
        %add3A_136 = arith.constant 1 : i32
        %add3A_137 = arith.addi %add3A_136, %mul3A_135 : i32
        %dma_start3A_138 = arith.constant 0 : i32
        %dma_start3A_139 = tpu.memref_slice %arg9[%add3A_137, %dma_start3A_138] : memref<40x128xi32, #tpu.memory_space<vmem>> -> memref<1x128xi32, #tpu.memory_space<vmem>>
        %dma_start3A_140 = tpu.memref_squeeze %dma_start3A_139 : memref<1x128xi32, #tpu.memory_space<vmem>> -> memref<128xi32, #tpu.memory_space<vmem>>
        %dma_start3A_141 = arith.constant 0 : i32
        %dma_start3A_142 = arith.constant 0 : i32
        %dma_start3A_143 = tpu.memref_slice %arg3[%dma_start3A_141, %dma_start3A_142] : memref<10000x128xf32, #tpu.memory_space<hbm>> -> memref<10000x128xf32, #tpu.memory_space<hbm>>
        tpu.enqueue_indirect_dma source(%dma_start3A_143 : memref<10000x128xf32, #tpu.memory_space<hbm>>) target(%arg12 : memref<128x128xf32, #tpu.memory_space<vmem>>) offsets(%dma_start3A_140 : memref<128xi32, #tpu.memory_space<vmem>>) semaphore(%arg15 : memref<!tpu.dma_semaphore, #tpu.memory_space<semaphore_mem>>)
        %mul3A_144 = arith.constant 2 : i32
        %mul3A_145 = arith.muli %mul3A_144, %add3A_133 : i32
        %dma_wait3A_146 = arith.constant 0 : i32
        %dma_wait3A_147 = tpu.memref_slice %arg9[%mul3A_145, %dma_wait3A_146] : memref<40x128xi32, #tpu.memory_space<vmem>> -> memref<1x128xi32, #tpu.memory_space<vmem>>
        %dma_wait3A_148 = tpu.memref_squeeze %dma_wait3A_147 : memref<1x128xi32, #tpu.memory_space<vmem>> -> memref<128xi32, #tpu.memory_space<vmem>>
        %dma_wait3A_149 = arith.constant 0 : i32
        %dma_wait3A_150 = arith.constant 0 : i32
        %dma_wait3A_151 = tpu.memref_slice %arg3[%dma_wait3A_149, %dma_wait3A_150] : memref<10000x128xf32, #tpu.memory_space<hbm>> -> memref<10000x128xf32, #tpu.memory_space<hbm>>
        tpu.wait_indirect_dma semaphore(%arg14 : memref<!tpu.dma_semaphore, #tpu.memory_space<semaphore_mem>>) src(%dma_wait3A_151 : memref<10000x128xf32, #tpu.memory_space<hbm>>) dst(%arg11 : memref<128x128xf32, #tpu.memory_space<vmem>>)
        %mul3A_152 = arith.constant 2 : i32
        %mul3A_153 = arith.muli %mul3A_152, %add3A_133 : i32
        %dma_start3A_154 = arith.constant 0 : i32
        %dma_start3A_155 = tpu.memref_slice %arg10[%mul3A_153, %dma_start3A_154] : memref<40x128xi32, #tpu.memory_space<vmem>> -> memref<1x128xi32, #tpu.memory_space<vmem>>
        %dma_start3A_156 = tpu.memref_squeeze %dma_start3A_155 : memref<1x128xi32, #tpu.memory_space<vmem>> -> memref<128xi32, #tpu.memory_space<vmem>>
        %dma_start3A_157 = arith.constant 0 : i32
        %dma_start3A_158 = arith.constant 0 : i32
        %dma_start3A_159 = tpu.memref_slice %arg13[%dma_start3A_157, %dma_start3A_158] : memref<10016x128xf32, #tpu.memory_space<vmem_shared>> -> memref<10016x128xf32, #tpu.memory_space<vmem_shared>>
        tpu.enqueue_indirect_dma source(%arg11 : memref<128x128xf32, #tpu.memory_space<vmem>>) target(%dma_start3A_159 : memref<10016x128xf32, #tpu.memory_space<vmem_shared>>) offsets(%dma_start3A_156 : memref<128xi32, #tpu.memory_space<vmem>>) semaphore(%arg14 : memref<!tpu.dma_semaphore, #tpu.memory_space<semaphore_mem>>) {add = true}
        %dma_wait3A_160 = arith.constant 0 : i32
        %dma_wait3A_161 = tpu.memref_slice %arg10[%mul3A_153, %dma_wait3A_160] : memref<40x128xi32, #tpu.memory_space<vmem>> -> memref<1x128xi32, #tpu.memory_space<vmem>>
        %dma_wait3A_162 = tpu.memref_squeeze %dma_wait3A_161 : memref<1x128xi32, #tpu.memory_space<vmem>> -> memref<128xi32, #tpu.memory_space<vmem>>
        %dma_wait3A_163 = arith.constant 0 : i32
        %dma_wait3A_164 = arith.constant 0 : i32
        %dma_wait3A_165 = tpu.memref_slice %arg13[%dma_wait3A_163, %dma_wait3A_164] : memref<10016x128xf32, #tpu.memory_space<vmem_shared>> -> memref<10016x128xf32, #tpu.memory_space<vmem_shared>>
        tpu.wait_indirect_dma semaphore(%arg14 : memref<!tpu.dma_semaphore, #tpu.memory_space<semaphore_mem>>) src(%arg11 : memref<128x128xf32, #tpu.memory_space<vmem>>) dst(%dma_wait3A_165 : memref<10016x128xf32, #tpu.memory_space<vmem_shared>>)
        %add3A_166 = arith.constant 1 : i32
        %add3A_167 = arith.addi %add3A_137, %add3A_166 : i32
        %dma_start3A_168 = arith.constant 0 : i32
        %dma_start3A_169 = tpu.memref_slice %arg9[%add3A_167, %dma_start3A_168] : memref<40x128xi32, #tpu.memory_space<vmem>> -> memref<1x128xi32, #tpu.memory_space<vmem>>
        %dma_start3A_170 = tpu.memref_squeeze %dma_start3A_169 : memref<1x128xi32, #tpu.memory_space<vmem>> -> memref<128xi32, #tpu.memory_space<vmem>>
        %dma_start3A_171 = arith.constant 0 : i32
        %dma_start3A_172 = arith.constant 0 : i32
        %dma_start3A_173 = tpu.memref_slice %arg3[%dma_start3A_171, %dma_start3A_172] : memref<10000x128xf32, #tpu.memory_space<hbm>> -> memref<10000x128xf32, #tpu.memory_space<hbm>>
        tpu.enqueue_indirect_dma source(%dma_start3A_173 : memref<10000x128xf32, #tpu.memory_space<hbm>>) target(%arg11 : memref<128x128xf32, #tpu.memory_space<vmem>>) offsets(%dma_start3A_170 : memref<128xi32, #tpu.memory_space<vmem>>) semaphore(%arg14 : memref<!tpu.dma_semaphore, #tpu.memory_space<semaphore_mem>>)
        %dma_wait3A_174 = arith.constant 0 : i32
        %dma_wait3A_175 = tpu.memref_slice %arg9[%add3A_137, %dma_wait3A_174] : memref<40x128xi32, #tpu.memory_space<vmem>> -> memref<1x128xi32, #tpu.memory_space<vmem>>
        %dma_wait3A_176 = tpu.memref_squeeze %dma_wait3A_175 : memref<1x128xi32, #tpu.memory_space<vmem>> -> memref<128xi32, #tpu.memory_space<vmem>>
        %dma_wait3A_177 = arith.constant 0 : i32
        %dma_wait3A_178 = arith.constant 0 : i32
        %dma_wait3A_179 = tpu.memref_slice %arg3[%dma_wait3A_177, %dma_wait3A_178] : memref<10000x128xf32, #tpu.memory_space<hbm>> -> memref<10000x128xf32, #tpu.memory_space<hbm>>
        tpu.wait_indirect_dma semaphore(%arg15 : memref<!tpu.dma_semaphore, #tpu.memory_space<semaphore_mem>>) src(%dma_wait3A_179 : memref<10000x128xf32, #tpu.memory_space<hbm>>) dst(%arg12 : memref<128x128xf32, #tpu.memory_space<vmem>>)
        %dma_start3A_180 = arith.constant 0 : i32
        %dma_start3A_181 = tpu.memref_slice %arg10[%add3A_137, %dma_start3A_180] : memref<40x128xi32, #tpu.memory_space<vmem>> -> memref<1x128xi32, #tpu.memory_space<vmem>>
        %dma_start3A_182 = tpu.memref_squeeze %dma_start3A_181 : memref<1x128xi32, #tpu.memory_space<vmem>> -> memref<128xi32, #tpu.memory_space<vmem>>
        %dma_start3A_183 = arith.constant 0 : i32
        %dma_start3A_184 = arith.constant 0 : i32
        %dma_start3A_185 = tpu.memref_slice %arg13[%dma_start3A_183, %dma_start3A_184] : memref<10016x128xf32, #tpu.memory_space<vmem_shared>> -> memref<10016x128xf32, #tpu.memory_space<vmem_shared>>
        tpu.enqueue_indirect_dma source(%arg12 : memref<128x128xf32, #tpu.memory_space<vmem>>) target(%dma_start3A_185 : memref<10016x128xf32, #tpu.memory_space<vmem_shared>>) offsets(%dma_start3A_182 : memref<128xi32, #tpu.memory_space<vmem>>) semaphore(%arg15 : memref<!tpu.dma_semaphore, #tpu.memory_space<semaphore_mem>>) {add = true}
        %dma_wait3A_186 = arith.constant 0 : i32
        %dma_wait3A_187 = tpu.memref_slice %arg10[%add3A_137, %dma_wait3A_186] : memref<40x128xi32, #tpu.memory_space<vmem>> -> memref<1x128xi32, #tpu.memory_space<vmem>>
        %dma_wait3A_188 = tpu.memref_squeeze %dma_wait3A_187 : memref<1x128xi32, #tpu.memory_space<vmem>> -> memref<128xi32, #tpu.memory_space<vmem>>
        %dma_wait3A_189 = arith.constant 0 : i32
        %dma_wait3A_190 = arith.constant 0 : i32
        %dma_wait3A_191 = tpu.memref_slice %arg13[%dma_wait3A_189, %dma_wait3A_190] : memref<10016x128xf32, #tpu.memory_space<vmem_shared>> -> memref<10016x128xf32, #tpu.memory_space<vmem_shared>>
        tpu.wait_indirect_dma semaphore(%arg15 : memref<!tpu.dma_semaphore, #tpu.memory_space<semaphore_mem>>) src(%arg12 : memref<128x128xf32, #tpu.memory_space<vmem>>) dst(%dma_wait3A_191 : memref<10016x128xf32, #tpu.memory_space<vmem_shared>>)
      }
      %scan3A_17 = arith.constant 19 : i32
      %dma_start3A_18 = arith.constant 39 : i32
      %dma_start3A_19 = arith.constant 0 : i32
      %dma_start3A_20 = tpu.memref_slice %arg9[%dma_start3A_18, %dma_start3A_19] : memref<40x128xi32, #tpu.memory_space<vmem>> -> memref<1x128xi32, #tpu.memory_space<vmem>>
      %dma_start3A_21 = tpu.memref_squeeze %dma_start3A_20 : memref<1x128xi32, #tpu.memory_space<vmem>> -> memref<128xi32, #tpu.memory_space<vmem>>
      %dma_start3A_22 = arith.constant 0 : i32
      %dma_start3A_23 = arith.constant 0 : i32
      %dma_start3A_24 = tpu.memref_slice %arg3[%dma_start3A_22, %dma_start3A_23] : memref<10000x128xf32, #tpu.memory_space<hbm>> -> memref<10000x128xf32, #tpu.memory_space<hbm>>
      tpu.enqueue_indirect_dma source(%dma_start3A_24 : memref<10000x128xf32, #tpu.memory_space<hbm>>) target(%arg12 : memref<128x128xf32, #tpu.memory_space<vmem>>) offsets(%dma_start3A_21 : memref<128xi32, #tpu.memory_space<vmem>>) semaphore(%arg15 : memref<!tpu.dma_semaphore, #tpu.memory_space<semaphore_mem>>)
      %dma_wait3A = arith.constant 38 : i32
      %dma_wait3A_25 = arith.constant 0 : i32
      %dma_wait3A_26 = tpu.memref_slice %arg9[%dma_wait3A, %dma_wait3A_25] : memref<40x128xi32, #tpu.memory_space<vmem>> -> memref<1x128xi32, #tpu.memory_space<vmem>>
      %dma_wait3A_27 = tpu.memref_squeeze %dma_wait3A_26 : memref<1x128xi32, #tpu.memory_space<vmem>> -> memref<128xi32, #tpu.memory_space<vmem>>
      %dma_wait3A_28 = arith.constant 0 : i32
      %dma_wait3A_29 = arith.constant 0 : i32
      %dma_wait3A_30 = tpu.memref_slice %arg3[%dma_wait3A_28, %dma_wait3A_29] : memref<10000x128xf32, #tpu.memory_space<hbm>> -> memref<10000x128xf32, #tpu.memory_space<hbm>>
      tpu.wait_indirect_dma semaphore(%arg14 : memref<!tpu.dma_semaphore, #tpu.memory_space<semaphore_mem>>) src(%dma_wait3A_30 : memref<10000x128xf32, #tpu.memory_space<hbm>>) dst(%arg11 : memref<128x128xf32, #tpu.memory_space<vmem>>)
      %dma_start3A_31 = arith.constant 38 : i32
      %dma_start3A_32 = arith.constant 0 : i32
      %dma_start3A_33 = tpu.memref_slice %arg10[%dma_start3A_31, %dma_start3A_32] : memref<40x128xi32, #tpu.memory_space<vmem>> -> memref<1x128xi32, #tpu.memory_space<vmem>>
      %dma_start3A_34 = tpu.memref_squeeze %dma_start3A_33 : memref<1x128xi32, #tpu.memory_space<vmem>> -> memref<128xi32, #tpu.memory_space<vmem>>
      %dma_start3A_35 = arith.constant 0 : i32
      %dma_start3A_36 = arith.constant 0 : i32
      %dma_start3A_37 = tpu.memref_slice %arg13[%dma_start3A_35, %dma_start3A_36] : memref<10016x128xf32, #tpu.memory_space<vmem_shared>> -> memref<10016x128xf32, #tpu.memory_space<vmem_shared>>
      tpu.enqueue_indirect_dma source(%arg11 : memref<128x128xf32, #tpu.memory_space<vmem>>) target(%dma_start3A_37 : memref<10016x128xf32, #tpu.memory_space<vmem_shared>>) offsets(%dma_start3A_34 : memref<128xi32, #tpu.memory_space<vmem>>) semaphore(%arg14 : memref<!tpu.dma_semaphore, #tpu.memory_space<semaphore_mem>>) {add = true}
      %dma_wait3A_38 = arith.constant 38 : i32
      %dma_wait3A_39 = arith.constant 0 : i32
      %dma_wait3A_40 = tpu.memref_slice %arg10[%dma_wait3A_38, %dma_wait3A_39] : memref<40x128xi32, #tpu.memory_space<vmem>> -> memref<1x128xi32, #tpu.memory_space<vmem>>
      %dma_wait3A_41 = tpu.memref_squeeze %dma_wait3A_40 : memref<1x128xi32, #tpu.memory_space<vmem>> -> memref<128xi32, #tpu.memory_space<vmem>>
      %dma_wait3A_42 = arith.constant 0 : i32
      %dma_wait3A_43 = arith.constant 0 : i32
      %dma_wait3A_44 = tpu.memref_slice %arg13[%dma_wait3A_42, %dma_wait3A_43] : memref<10016x128xf32, #tpu.memory_space<vmem_shared>> -> memref<10016x128xf32, #tpu.memory_space<vmem_shared>>
      tpu.wait_indirect_dma semaphore(%arg14 : memref<!tpu.dma_semaphore, #tpu.memory_space<semaphore_mem>>) src(%arg11 : memref<128x128xf32, #tpu.memory_space<vmem>>) dst(%dma_wait3A_44 : memref<10016x128xf32, #tpu.memory_space<vmem_shared>>)
      %dma_wait3A_45 = arith.constant 39 : i32
      %dma_wait3A_46 = arith.constant 0 : i32
      %dma_wait3A_47 = tpu.memref_slice %arg9[%dma_wait3A_45, %dma_wait3A_46] : memref<40x128xi32, #tpu.memory_space<vmem>> -> memref<1x128xi32, #tpu.memory_space<vmem>>
      %dma_wait3A_48 = tpu.memref_squeeze %dma_wait3A_47 : memref<1x128xi32, #tpu.memory_space<vmem>> -> memref<128xi32, #tpu.memory_space<vmem>>
      %dma_wait3A_49 = arith.constant 0 : i32
      %dma_wait3A_50 = arith.constant 0 : i32
      %dma_wait3A_51 = tpu.memref_slice %arg3[%dma_wait3A_49, %dma_wait3A_50] : memref<10000x128xf32, #tpu.memory_space<hbm>> -> memref<10000x128xf32, #tpu.memory_space<hbm>>
      tpu.wait_indirect_dma semaphore(%arg15 : memref<!tpu.dma_semaphore, #tpu.memory_space<semaphore_mem>>) src(%dma_wait3A_51 : memref<10000x128xf32, #tpu.memory_space<hbm>>) dst(%arg12 : memref<128x128xf32, #tpu.memory_space<vmem>>)
      %dma_start3A_52 = arith.constant 39 : i32
      %dma_start3A_53 = arith.constant 0 : i32
      %dma_start3A_54 = tpu.memref_slice %arg10[%dma_start3A_52, %dma_start3A_53] : memref<40x128xi32, #tpu.memory_space<vmem>> -> memref<1x128xi32, #tpu.memory_space<vmem>>
      %dma_start3A_55 = tpu.memref_squeeze %dma_start3A_54 : memref<1x128xi32, #tpu.memory_space<vmem>> -> memref<128xi32, #tpu.memory_space<vmem>>
      %dma_start3A_56 = arith.constant 0 : i32
      %dma_start3A_57 = arith.constant 0 : i32
      %dma_start3A_58 = tpu.memref_slice %arg13[%dma_start3A_56, %dma_start3A_57] : memref<10016x128xf32, #tpu.memory_space<vmem_shared>> -> memref<10016x128xf32, #tpu.memory_space<vmem_shared>>
      tpu.enqueue_indirect_dma source(%arg12 : memref<128x128xf32, #tpu.memory_space<vmem>>) target(%dma_start3A_58 : memref<10016x128xf32, #tpu.memory_space<vmem_shared>>) offsets(%dma_start3A_55 : memref<128xi32, #tpu.memory_space<vmem>>) semaphore(%arg15 : memref<!tpu.dma_semaphore, #tpu.memory_space<semaphore_mem>>) {add = true}
      %dma_wait3A_59 = arith.constant 39 : i32
      %dma_wait3A_60 = arith.constant 0 : i32
      %dma_wait3A_61 = tpu.memref_slice %arg10[%dma_wait3A_59, %dma_wait3A_60] : memref<40x128xi32, #tpu.memory_space<vmem>> -> memref<1x128xi32, #tpu.memory_space<vmem>>
      %dma_wait3A_62 = tpu.memref_squeeze %dma_wait3A_61 : memref<1x128xi32, #tpu.memory_space<vmem>> -> memref<128xi32, #tpu.memory_space<vmem>>
      %dma_wait3A_63 = arith.constant 0 : i32
      %dma_wait3A_64 = arith.constant 0 : i32
      %dma_wait3A_65 = tpu.memref_slice %arg13[%dma_wait3A_63, %dma_wait3A_64] : memref<10016x128xf32, #tpu.memory_space<vmem_shared>> -> memref<10016x128xf32, #tpu.memory_space<vmem_shared>>
      tpu.wait_indirect_dma semaphore(%arg15 : memref<!tpu.dma_semaphore, #tpu.memory_space<semaphore_mem>>) src(%arg12 : memref<128x128xf32, #tpu.memory_space<vmem>>) dst(%dma_wait3A_65 : memref<10016x128xf32, #tpu.memory_space<vmem_shared>>)
      "tpu.region"() ({
        %run_scoped3A = tpu.sem_alloc : memref<!tpu.dma_semaphore, #tpu.memory_space<semaphore_mem>>
        %dma_start3A_130 = arith.constant 0 : i32
        %dma_start3A_131 = arith.constant 0 : i32
        %dma_start3A_132 = tpu.memref_slice %arg4[%arg1, %dma_start3A_130, %dma_start3A_131] : memref<16x80x128xi32, #tpu.memory_space<hbm>> -> memref<1x80x128xi32, #tpu.memory_space<hbm>>
        %dma_start3A_133 = tpu.memref_squeeze %dma_start3A_132 : memref<1x80x128xi32, #tpu.memory_space<hbm>> -> memref<80x128xi32, #tpu.memory_space<hbm>>
        %dma_start3A_134 = arith.constant 40 : i32
        %dma_start3A_135 = arith.constant 0 : i32
        %dma_start3A_136 = tpu.memref_slice %dma_start3A_133[%dma_start3A_134, %dma_start3A_135] : memref<80x128xi32, #tpu.memory_space<hbm>> -> memref<40x128xi32, #tpu.memory_space<hbm>>
        %dma_start3A_137 = arith.constant 0 : i32
        %dma_start3A_138 = arith.constant 0 : i32
        %dma_start3A_139 = tpu.memref_slice %arg4[%arg1, %dma_start3A_137, %dma_start3A_138] : memref<16x80x128xi32, #tpu.memory_space<hbm>> -> memref<1x80x128xi32, #tpu.memory_space<hbm>>
        %dma_start3A_140 = tpu.memref_squeeze %dma_start3A_139 : memref<1x80x128xi32, #tpu.memory_space<hbm>> -> memref<80x128xi32, #tpu.memory_space<hbm>>
        %dma_start3A_141 = arith.constant 40 : i32
        %dma_start3A_142 = arith.constant 0 : i32
        %dma_start3A_143 = tpu.memref_slice %dma_start3A_140[%dma_start3A_141, %dma_start3A_142] : memref<80x128xi32, #tpu.memory_space<hbm>> -> memref<40x128xi32, #tpu.memory_space<hbm>>
        tpu.enqueue_dma source(%dma_start3A_143 : memref<40x128xi32, #tpu.memory_space<hbm>>) target(%arg9 : memref<40x128xi32, #tpu.memory_space<vmem>>) target_semaphore(%run_scoped3A : memref<!tpu.dma_semaphore, #tpu.memory_space<semaphore_mem>>)
        %dma_wait3A_144 = arith.constant 0 : i32
        %dma_wait3A_145 = arith.constant 0 : i32
        %dma_wait3A_146 = tpu.memref_slice %arg4[%arg1, %dma_wait3A_144, %dma_wait3A_145] : memref<16x80x128xi32, #tpu.memory_space<hbm>> -> memref<1x80x128xi32, #tpu.memory_space<hbm>>
        %dma_wait3A_147 = tpu.memref_squeeze %dma_wait3A_146 : memref<1x80x128xi32, #tpu.memory_space<hbm>> -> memref<80x128xi32, #tpu.memory_space<hbm>>
        %dma_wait3A_148 = arith.constant 40 : i32
        %dma_wait3A_149 = arith.constant 0 : i32
        %dma_wait3A_150 = tpu.memref_slice %dma_wait3A_147[%dma_wait3A_148, %dma_wait3A_149] : memref<80x128xi32, #tpu.memory_space<hbm>> -> memref<40x128xi32, #tpu.memory_space<hbm>>
        %dma_wait3A_151 = arith.constant 0 : i32
        %dma_wait3A_152 = arith.constant 0 : i32
        %dma_wait3A_153 = tpu.memref_slice %arg4[%arg1, %dma_wait3A_151, %dma_wait3A_152] : memref<16x80x128xi32, #tpu.memory_space<hbm>> -> memref<1x80x128xi32, #tpu.memory_space<hbm>>
        %dma_wait3A_154 = tpu.memref_squeeze %dma_wait3A_153 : memref<1x80x128xi32, #tpu.memory_space<hbm>> -> memref<80x128xi32, #tpu.memory_space<hbm>>
        %dma_wait3A_155 = arith.constant 40 : i32
        %dma_wait3A_156 = arith.constant 0 : i32
        %dma_wait3A_157 = tpu.memref_slice %dma_wait3A_154[%dma_wait3A_155, %dma_wait3A_156] : memref<80x128xi32, #tpu.memory_space<hbm>> -> memref<40x128xi32, #tpu.memory_space<hbm>>
        tpu.wait_dma2 semaphore(%run_scoped3A : memref<!tpu.dma_semaphore, #tpu.memory_space<semaphore_mem>>) src(%dma_wait3A_157 : memref<40x128xi32, #tpu.memory_space<hbm>>) dst(%arg9 : memref<40x128xi32, #tpu.memory_space<vmem>>)
        tpu.yield
      }) : () -> ()
      "tpu.region"() ({
        %run_scoped3A = tpu.sem_alloc : memref<!tpu.dma_semaphore, #tpu.memory_space<semaphore_mem>>
        %dma_start3A_130 = arith.constant 0 : i32
        %dma_start3A_131 = arith.constant 0 : i32
        %dma_start3A_132 = tpu.memref_slice %arg5[%arg1, %dma_start3A_130, %dma_start3A_131] : memref<16x80x128xi32, #tpu.memory_space<hbm>> -> memref<1x80x128xi32, #tpu.memory_space<hbm>>
        %dma_start3A_133 = tpu.memref_squeeze %dma_start3A_132 : memref<1x80x128xi32, #tpu.memory_space<hbm>> -> memref<80x128xi32, #tpu.memory_space<hbm>>
        %dma_start3A_134 = arith.constant 40 : i32
        %dma_start3A_135 = arith.constant 0 : i32
        %dma_start3A_136 = tpu.memref_slice %dma_start3A_133[%dma_start3A_134, %dma_start3A_135] : memref<80x128xi32, #tpu.memory_space<hbm>> -> memref<40x128xi32, #tpu.memory_space<hbm>>
        %dma_start3A_137 = arith.constant 0 : i32
        %dma_start3A_138 = arith.constant 0 : i32
        %dma_start3A_139 = tpu.memref_slice %arg5[%arg1, %dma_start3A_137, %dma_start3A_138] : memref<16x80x128xi32, #tpu.memory_space<hbm>> -> memref<1x80x128xi32, #tpu.memory_space<hbm>>
        %dma_start3A_140 = tpu.memref_squeeze %dma_start3A_139 : memref<1x80x128xi32, #tpu.memory_space<hbm>> -> memref<80x128xi32, #tpu.memory_space<hbm>>
        %dma_start3A_141 = arith.constant 40 : i32
        %dma_start3A_142 = arith.constant 0 : i32
        %dma_start3A_143 = tpu.memref_slice %dma_start3A_140[%dma_start3A_141, %dma_start3A_142] : memref<80x128xi32, #tpu.memory_space<hbm>> -> memref<40x128xi32, #tpu.memory_space<hbm>>
        tpu.enqueue_dma source(%dma_start3A_143 : memref<40x128xi32, #tpu.memory_space<hbm>>) target(%arg10 : memref<40x128xi32, #tpu.memory_space<vmem>>) target_semaphore(%run_scoped3A : memref<!tpu.dma_semaphore, #tpu.memory_space<semaphore_mem>>)
        %dma_wait3A_144 = arith.constant 0 : i32
        %dma_wait3A_145 = arith.constant 0 : i32
        %dma_wait3A_146 = tpu.memref_slice %arg5[%arg1, %dma_wait3A_144, %dma_wait3A_145] : memref<16x80x128xi32, #tpu.memory_space<hbm>> -> memref<1x80x128xi32, #tpu.memory_space<hbm>>
        %dma_wait3A_147 = tpu.memref_squeeze %dma_wait3A_146 : memref<1x80x128xi32, #tpu.memory_space<hbm>> -> memref<80x128xi32, #tpu.memory_space<hbm>>
        %dma_wait3A_148 = arith.constant 40 : i32
        %dma_wait3A_149 = arith.constant 0 : i32
        %dma_wait3A_150 = tpu.memref_slice %dma_wait3A_147[%dma_wait3A_148, %dma_wait3A_149] : memref<80x128xi32, #tpu.memory_space<hbm>> -> memref<40x128xi32, #tpu.memory_space<hbm>>
        %dma_wait3A_151 = arith.constant 0 : i32
        %dma_wait3A_152 = arith.constant 0 : i32
        %dma_wait3A_153 = tpu.memref_slice %arg5[%arg1, %dma_wait3A_151, %dma_wait3A_152] : memref<16x80x128xi32, #tpu.memory_space<hbm>> -> memref<1x80x128xi32, #tpu.memory_space<hbm>>
        %dma_wait3A_154 = tpu.memref_squeeze %dma_wait3A_153 : memref<1x80x128xi32, #tpu.memory_space<hbm>> -> memref<80x128xi32, #tpu.memory_space<hbm>>
        %dma_wait3A_155 = arith.constant 40 : i32
        %dma_wait3A_156 = arith.constant 0 : i32
        %dma_wait3A_157 = tpu.memref_slice %dma_wait3A_154[%dma_wait3A_155, %dma_wait3A_156] : memref<80x128xi32, #tpu.memory_space<hbm>> -> memref<40x128xi32, #tpu.memory_space<hbm>>
        tpu.wait_dma2 semaphore(%run_scoped3A : memref<!tpu.dma_semaphore, #tpu.memory_space<semaphore_mem>>) src(%dma_wait3A_157 : memref<40x128xi32, #tpu.memory_space<hbm>>) dst(%arg10 : memref<40x128xi32, #tpu.memory_space<vmem>>)
        tpu.yield
      }) : () -> ()
      %dma_start3A_66 = arith.constant 0 : i32
      %dma_start3A_67 = arith.constant 0 : i32
      %dma_start3A_68 = tpu.memref_slice %arg9[%dma_start3A_66, %dma_start3A_67] : memref<40x128xi32, #tpu.memory_space<vmem>> -> memref<1x128xi32, #tpu.memory_space<vmem>>
      %dma_start3A_69 = tpu.memref_squeeze %dma_start3A_68 : memref<1x128xi32, #tpu.memory_space<vmem>> -> memref<128xi32, #tpu.memory_space<vmem>>
      %dma_start3A_70 = arith.constant 0 : i32
      %dma_start3A_71 = arith.constant 0 : i32
      %dma_start3A_72 = tpu.memref_slice %arg3[%dma_start3A_70, %dma_start3A_71] : memref<10000x128xf32, #tpu.memory_space<hbm>> -> memref<10000x128xf32, #tpu.memory_space<hbm>>
      tpu.enqueue_indirect_dma source(%dma_start3A_72 : memref<10000x128xf32, #tpu.memory_space<hbm>>) target(%arg11 : memref<128x128xf32, #tpu.memory_space<vmem>>) offsets(%dma_start3A_69 : memref<128xi32, #tpu.memory_space<vmem>>) semaphore(%arg14 : memref<!tpu.dma_semaphore, #tpu.memory_space<semaphore_mem>>)
      %scan3A_73 = arith.constant 0 : i32
      %scan3A_74 = arith.constant 19 : i32
      %scan3A_75 = arith.addi %scan3A_73, %scan3A_74 : i32
      %scan3A_76 = arith.constant 1 : i32
      scf.for %scan3A_130 = %scan3A_73 to %scan3A_75 step %scan3A_76  : i32 {
        %mul3A_131 = arith.constant 1 : i32
        %mul3A_132 = arith.muli %scan3A_130, %mul3A_131 : i32
        %add3A = arith.constant 0 : i32
        %add3A_133 = arith.addi %add3A, %mul3A_132 : i32
        %mul3A_134 = arith.constant 2 : i32
        %mul3A_135 = arith.muli %mul3A_134, %add3A_133 : i32
        %add3A_136 = arith.constant 1 : i32
        %add3A_137 = arith.addi %add3A_136, %mul3A_135 : i32
        %dma_start3A_138 = arith.constant 0 : i32
        %dma_start3A_139 = tpu.memref_slice %arg9[%add3A_137, %dma_start3A_138] : memref<40x128xi32, #tpu.memory_space<vmem>> -> memref<1x128xi32, #tpu.memory_space<vmem>>
        %dma_start3A_140 = tpu.memref_squeeze %dma_start3A_139 : memref<1x128xi32, #tpu.memory_space<vmem>> -> memref<128xi32, #tpu.memory_space<vmem>>
        %dma_start3A_141 = arith.constant 0 : i32
        %dma_start3A_142 = arith.constant 0 : i32
        %dma_start3A_143 = tpu.memref_slice %arg3[%dma_start3A_141, %dma_start3A_142] : memref<10000x128xf32, #tpu.memory_space<hbm>> -> memref<10000x128xf32, #tpu.memory_space<hbm>>
        tpu.enqueue_indirect_dma source(%dma_start3A_143 : memref<10000x128xf32, #tpu.memory_space<hbm>>) target(%arg12 : memref<128x128xf32, #tpu.memory_space<vmem>>) offsets(%dma_start3A_140 : memref<128xi32, #tpu.memory_space<vmem>>) semaphore(%arg15 : memref<!tpu.dma_semaphore, #tpu.memory_space<semaphore_mem>>)
        %mul3A_144 = arith.constant 2 : i32
        %mul3A_145 = arith.muli %mul3A_144, %add3A_133 : i32
        %dma_wait3A_146 = arith.constant 0 : i32
        %dma_wait3A_147 = tpu.memref_slice %arg9[%mul3A_145, %dma_wait3A_146] : memref<40x128xi32, #tpu.memory_space<vmem>> -> memref<1x128xi32, #tpu.memory_space<vmem>>
        %dma_wait3A_148 = tpu.memref_squeeze %dma_wait3A_147 : memref<1x128xi32, #tpu.memory_space<vmem>> -> memref<128xi32, #tpu.memory_space<vmem>>
        %dma_wait3A_149 = arith.constant 0 : i32
        %dma_wait3A_150 = arith.constant 0 : i32
        %dma_wait3A_151 = tpu.memref_slice %arg3[%dma_wait3A_149, %dma_wait3A_150] : memref<10000x128xf32, #tpu.memory_space<hbm>> -> memref<10000x128xf32, #tpu.memory_space<hbm>>
        tpu.wait_indirect_dma semaphore(%arg14 : memref<!tpu.dma_semaphore, #tpu.memory_space<semaphore_mem>>) src(%dma_wait3A_151 : memref<10000x128xf32, #tpu.memory_space<hbm>>) dst(%arg11 : memref<128x128xf32, #tpu.memory_space<vmem>>)
        %mul3A_152 = arith.constant 2 : i32
        %mul3A_153 = arith.muli %mul3A_152, %add3A_133 : i32
        %dma_start3A_154 = arith.constant 0 : i32
        %dma_start3A_155 = tpu.memref_slice %arg10[%mul3A_153, %dma_start3A_154] : memref<40x128xi32, #tpu.memory_space<vmem>> -> memref<1x128xi32, #tpu.memory_space<vmem>>
        %dma_start3A_156 = tpu.memref_squeeze %dma_start3A_155 : memref<1x128xi32, #tpu.memory_space<vmem>> -> memref<128xi32, #tpu.memory_space<vmem>>
        %dma_start3A_157 = arith.constant 0 : i32
        %dma_start3A_158 = arith.constant 0 : i32
        %dma_start3A_159 = tpu.memref_slice %arg13[%dma_start3A_157, %dma_start3A_158] : memref<10016x128xf32, #tpu.memory_space<vmem_shared>> -> memref<10016x128xf32, #tpu.memory_space<vmem_shared>>
        tpu.enqueue_indirect_dma source(%arg11 : memref<128x128xf32, #tpu.memory_space<vmem>>) target(%dma_start3A_159 : memref<10016x128xf32, #tpu.memory_space<vmem_shared>>) offsets(%dma_start3A_156 : memref<128xi32, #tpu.memory_space<vmem>>) semaphore(%arg14 : memref<!tpu.dma_semaphore, #tpu.memory_space<semaphore_mem>>) {add = true}
        %dma_wait3A_160 = arith.constant 0 : i32
        %dma_wait3A_161 = tpu.memref_slice %arg10[%mul3A_153, %dma_wait3A_160] : memref<40x128xi32, #tpu.memory_space<vmem>> -> memref<1x128xi32, #tpu.memory_space<vmem>>
        %dma_wait3A_162 = tpu.memref_squeeze %dma_wait3A_161 : memref<1x128xi32, #tpu.memory_space<vmem>> -> memref<128xi32, #tpu.memory_space<vmem>>
        %dma_wait3A_163 = arith.constant 0 : i32
        %dma_wait3A_164 = arith.constant 0 : i32
        %dma_wait3A_165 = tpu.memref_slice %arg13[%dma_wait3A_163, %dma_wait3A_164] : memref<10016x128xf32, #tpu.memory_space<vmem_shared>> -> memref<10016x128xf32, #tpu.memory_space<vmem_shared>>
        tpu.wait_indirect_dma semaphore(%arg14 : memref<!tpu.dma_semaphore, #tpu.memory_space<semaphore_mem>>) src(%arg11 : memref<128x128xf32, #tpu.memory_space<vmem>>) dst(%dma_wait3A_165 : memref<10016x128xf32, #tpu.memory_space<vmem_shared>>)
        %add3A_166 = arith.constant 1 : i32
        %add3A_167 = arith.addi %add3A_137, %add3A_166 : i32
        %dma_start3A_168 = arith.constant 0 : i32
        %dma_start3A_169 = tpu.memref_slice %arg9[%add3A_167, %dma_start3A_168] : memref<40x128xi32, #tpu.memory_space<vmem>> -> memref<1x128xi32, #tpu.memory_space<vmem>>
        %dma_start3A_170 = tpu.memref_squeeze %dma_start3A_169 : memref<1x128xi32, #tpu.memory_space<vmem>> -> memref<128xi32, #tpu.memory_space<vmem>>
        %dma_start3A_171 = arith.constant 0 : i32
        %dma_start3A_172 = arith.constant 0 : i32
        %dma_start3A_173 = tpu.memref_slice %arg3[%dma_start3A_171, %dma_start3A_172] : memref<10000x128xf32, #tpu.memory_space<hbm>> -> memref<10000x128xf32, #tpu.memory_space<hbm>>
        tpu.enqueue_indirect_dma source(%dma_start3A_173 : memref<10000x128xf32, #tpu.memory_space<hbm>>) target(%arg11 : memref<128x128xf32, #tpu.memory_space<vmem>>) offsets(%dma_start3A_170 : memref<128xi32, #tpu.memory_space<vmem>>) semaphore(%arg14 : memref<!tpu.dma_semaphore, #tpu.memory_space<semaphore_mem>>)
        %dma_wait3A_174 = arith.constant 0 : i32
        %dma_wait3A_175 = tpu.memref_slice %arg9[%add3A_137, %dma_wait3A_174] : memref<40x128xi32, #tpu.memory_space<vmem>> -> memref<1x128xi32, #tpu.memory_space<vmem>>
        %dma_wait3A_176 = tpu.memref_squeeze %dma_wait3A_175 : memref<1x128xi32, #tpu.memory_space<vmem>> -> memref<128xi32, #tpu.memory_space<vmem>>
        %dma_wait3A_177 = arith.constant 0 : i32
        %dma_wait3A_178 = arith.constant 0 : i32
        %dma_wait3A_179 = tpu.memref_slice %arg3[%dma_wait3A_177, %dma_wait3A_178] : memref<10000x128xf32, #tpu.memory_space<hbm>> -> memref<10000x128xf32, #tpu.memory_space<hbm>>
        tpu.wait_indirect_dma semaphore(%arg15 : memref<!tpu.dma_semaphore, #tpu.memory_space<semaphore_mem>>) src(%dma_wait3A_179 : memref<10000x128xf32, #tpu.memory_space<hbm>>) dst(%arg12 : memref<128x128xf32, #tpu.memory_space<vmem>>)
        %dma_start3A_180 = arith.constant 0 : i32
        %dma_start3A_181 = tpu.memref_slice %arg10[%add3A_137, %dma_start3A_180] : memref<40x128xi32, #tpu.memory_space<vmem>> -> memref<1x128xi32, #tpu.memory_space<vmem>>
        %dma_start3A_182 = tpu.memref_squeeze %dma_start3A_181 : memref<1x128xi32, #tpu.memory_space<vmem>> -> memref<128xi32, #tpu.memory_space<vmem>>
        %dma_start3A_183 = arith.constant 0 : i32
        %dma_start3A_184 = arith.constant 0 : i32
        %dma_start3A_185 = tpu.memref_slice %arg13[%dma_start3A_183, %dma_start3A_184] : memref<10016x128xf32, #tpu.memory_space<vmem_shared>> -> memref<10016x128xf32, #tpu.memory_space<vmem_shared>>
        tpu.enqueue_indirect_dma source(%arg12 : memref<128x128xf32, #tpu.memory_space<vmem>>) target(%dma_start3A_185 : memref<10016x128xf32, #tpu.memory_space<vmem_shared>>) offsets(%dma_start3A_182 : memref<128xi32, #tpu.memory_space<vmem>>) semaphore(%arg15 : memref<!tpu.dma_semaphore, #tpu.memory_space<semaphore_mem>>) {add = true}
        %dma_wait3A_186 = arith.constant 0 : i32
        %dma_wait3A_187 = tpu.memref_slice %arg10[%add3A_137, %dma_wait3A_186] : memref<40x128xi32, #tpu.memory_space<vmem>> -> memref<1x128xi32, #tpu.memory_space<vmem>>
        %dma_wait3A_188 = tpu.memref_squeeze %dma_wait3A_187 : memref<1x128xi32, #tpu.memory_space<vmem>> -> memref<128xi32, #tpu.memory_space<vmem>>
        %dma_wait3A_189 = arith.constant 0 : i32
        %dma_wait3A_190 = arith.constant 0 : i32
        %dma_wait3A_191 = tpu.memref_slice %arg13[%dma_wait3A_189, %dma_wait3A_190] : memref<10016x128xf32, #tpu.memory_space<vmem_shared>> -> memref<10016x128xf32, #tpu.memory_space<vmem_shared>>
        tpu.wait_indirect_dma semaphore(%arg15 : memref<!tpu.dma_semaphore, #tpu.memory_space<semaphore_mem>>) src(%arg12 : memref<128x128xf32, #tpu.memory_space<vmem>>) dst(%dma_wait3A_191 : memref<10016x128xf32, #tpu.memory_space<vmem_shared>>)
      }
      %scan3A_77 = arith.constant 19 : i32
      %dma_start3A_78 = arith.constant 39 : i32
      %dma_start3A_79 = arith.constant 0 : i32
      %dma_start3A_80 = tpu.memref_slice %arg9[%dma_start3A_78, %dma_start3A_79] : memref<40x128xi32, #tpu.memory_space<vmem>> -> memref<1x128xi32, #tpu.memory_space<vmem>>
      %dma_start3A_81 = tpu.memref_squeeze %dma_start3A_80 : memref<1x128xi32, #tpu.memory_space<vmem>> -> memref<128xi32, #tpu.memory_space<vmem>>
      %dma_start3A_82 = arith.constant 0 : i32
      %dma_start3A_83 = arith.constant 0 : i32
      %dma_start3A_84 = tpu.memref_slice %arg3[%dma_start3A_82, %dma_start3A_83] : memref<10000x128xf32, #tpu.memory_space<hbm>> -> memref<10000x128xf32, #tpu.memory_space<hbm>>
      tpu.enqueue_indirect_dma source(%dma_start3A_84 : memref<10000x128xf32, #tpu.memory_space<hbm>>) target(%arg12 : memref<128x128xf32, #tpu.memory_space<vmem>>) offsets(%dma_start3A_81 : memref<128xi32, #tpu.memory_space<vmem>>) semaphore(%arg15 : memref<!tpu.dma_semaphore, #tpu.memory_space<semaphore_mem>>)
      %dma_wait3A_85 = arith.constant 38 : i32
      %dma_wait3A_86 = arith.constant 0 : i32
      %dma_wait3A_87 = tpu.memref_slice %arg9[%dma_wait3A_85, %dma_wait3A_86] : memref<40x128xi32, #tpu.memory_space<vmem>> -> memref<1x128xi32, #tpu.memory_space<vmem>>
      %dma_wait3A_88 = tpu.memref_squeeze %dma_wait3A_87 : memref<1x128xi32, #tpu.memory_space<vmem>> -> memref<128xi32, #tpu.memory_space<vmem>>
      %dma_wait3A_89 = arith.constant 0 : i32
      %dma_wait3A_90 = arith.constant 0 : i32
      %dma_wait3A_91 = tpu.memref_slice %arg3[%dma_wait3A_89, %dma_wait3A_90] : memref<10000x128xf32, #tpu.memory_space<hbm>> -> memref<10000x128xf32, #tpu.memory_space<hbm>>
      tpu.wait_indirect_dma semaphore(%arg14 : memref<!tpu.dma_semaphore, #tpu.memory_space<semaphore_mem>>) src(%dma_wait3A_91 : memref<10000x128xf32, #tpu.memory_space<hbm>>) dst(%arg11 : memref<128x128xf32, #tpu.memory_space<vmem>>)
      %dma_start3A_92 = arith.constant 38 : i32
      %dma_start3A_93 = arith.constant 0 : i32
      %dma_start3A_94 = tpu.memref_slice %arg10[%dma_start3A_92, %dma_start3A_93] : memref<40x128xi32, #tpu.memory_space<vmem>> -> memref<1x128xi32, #tpu.memory_space<vmem>>
      %dma_start3A_95 = tpu.memref_squeeze %dma_start3A_94 : memref<1x128xi32, #tpu.memory_space<vmem>> -> memref<128xi32, #tpu.memory_space<vmem>>
      %dma_start3A_96 = arith.constant 0 : i32
      %dma_start3A_97 = arith.constant 0 : i32
      %dma_start3A_98 = tpu.memref_slice %arg13[%dma_start3A_96, %dma_start3A_97] : memref<10016x128xf32, #tpu.memory_space<vmem_shared>> -> memref<10016x128xf32, #tpu.memory_space<vmem_shared>>
      tpu.enqueue_indirect_dma source(%arg11 : memref<128x128xf32, #tpu.memory_space<vmem>>) target(%dma_start3A_98 : memref<10016x128xf32, #tpu.memory_space<vmem_shared>>) offsets(%dma_start3A_95 : memref<128xi32, #tpu.memory_space<vmem>>) semaphore(%arg14 : memref<!tpu.dma_semaphore, #tpu.memory_space<semaphore_mem>>) {add = true}
      %dma_wait3A_99 = arith.constant 38 : i32
      %dma_wait3A_100 = arith.constant 0 : i32
      %dma_wait3A_101 = tpu.memref_slice %arg10[%dma_wait3A_99, %dma_wait3A_100] : memref<40x128xi32, #tpu.memory_space<vmem>> -> memref<1x128xi32, #tpu.memory_space<vmem>>
      %dma_wait3A_102 = tpu.memref_squeeze %dma_wait3A_101 : memref<1x128xi32, #tpu.memory_space<vmem>> -> memref<128xi32, #tpu.memory_space<vmem>>
      %dma_wait3A_103 = arith.constant 0 : i32
      %dma_wait3A_104 = arith.constant 0 : i32
      %dma_wait3A_105 = tpu.memref_slice %arg13[%dma_wait3A_103, %dma_wait3A_104] : memref<10016x128xf32, #tpu.memory_space<vmem_shared>> -> memref<10016x128xf32, #tpu.memory_space<vmem_shared>>
      tpu.wait_indirect_dma semaphore(%arg14 : memref<!tpu.dma_semaphore, #tpu.memory_space<semaphore_mem>>) src(%arg11 : memref<128x128xf32, #tpu.memory_space<vmem>>) dst(%dma_wait3A_105 : memref<10016x128xf32, #tpu.memory_space<vmem_shared>>)
      %dma_wait3A_106 = arith.constant 39 : i32
      %dma_wait3A_107 = arith.constant 0 : i32
      %dma_wait3A_108 = tpu.memref_slice %arg9[%dma_wait3A_106, %dma_wait3A_107] : memref<40x128xi32, #tpu.memory_space<vmem>> -> memref<1x128xi32, #tpu.memory_space<vmem>>
      %dma_wait3A_109 = tpu.memref_squeeze %dma_wait3A_108 : memref<1x128xi32, #tpu.memory_space<vmem>> -> memref<128xi32, #tpu.memory_space<vmem>>
      %dma_wait3A_110 = arith.constant 0 : i32
      %dma_wait3A_111 = arith.constant 0 : i32
      %dma_wait3A_112 = tpu.memref_slice %arg3[%dma_wait3A_110, %dma_wait3A_111] : memref<10000x128xf32, #tpu.memory_space<hbm>> -> memref<10000x128xf32, #tpu.memory_space<hbm>>
      tpu.wait_indirect_dma semaphore(%arg15 : memref<!tpu.dma_semaphore, #tpu.memory_space<semaphore_mem>>) src(%dma_wait3A_112 : memref<10000x128xf32, #tpu.memory_space<hbm>>) dst(%arg12 : memref<128x128xf32, #tpu.memory_space<vmem>>)
      %dma_start3A_113 = arith.constant 39 : i32
      %dma_start3A_114 = arith.constant 0 : i32
      %dma_start3A_115 = tpu.memref_slice %arg10[%dma_start3A_113, %dma_start3A_114] : memref<40x128xi32, #tpu.memory_space<vmem>> -> memref<1x128xi32, #tpu.memory_space<vmem>>
      %dma_start3A_116 = tpu.memref_squeeze %dma_start3A_115 : memref<1x128xi32, #tpu.memory_space<vmem>> -> memref<128xi32, #tpu.memory_space<vmem>>
      %dma_start3A_117 = arith.constant 0 : i32
      %dma_start3A_118 = arith.constant 0 : i32
      %dma_start3A_119 = tpu.memref_slice %arg13[%dma_start3A_117, %dma_start3A_118] : memref<10016x128xf32, #tpu.memory_space<vmem_shared>> -> memref<10016x128xf32, #tpu.memory_space<vmem_shared>>
      tpu.enqueue_indirect_dma source(%arg12 : memref<128x128xf32, #tpu.memory_space<vmem>>) target(%dma_start3A_119 : memref<10016x128xf32, #tpu.memory_space<vmem_shared>>) offsets(%dma_start3A_116 : memref<128xi32, #tpu.memory_space<vmem>>) semaphore(%arg15 : memref<!tpu.dma_semaphore, #tpu.memory_space<semaphore_mem>>) {add = true}
      %dma_wait3A_120 = arith.constant 39 : i32
      %dma_wait3A_121 = arith.constant 0 : i32
      %dma_wait3A_122 = tpu.memref_slice %arg10[%dma_wait3A_120, %dma_wait3A_121] : memref<40x128xi32, #tpu.memory_space<vmem>> -> memref<1x128xi32, #tpu.memory_space<vmem>>
      %dma_wait3A_123 = tpu.memref_squeeze %dma_wait3A_122 : memref<1x128xi32, #tpu.memory_space<vmem>> -> memref<128xi32, #tpu.memory_space<vmem>>
      %dma_wait3A_124 = arith.constant 0 : i32
      %dma_wait3A_125 = arith.constant 0 : i32
      %dma_wait3A_126 = tpu.memref_slice %arg13[%dma_wait3A_124, %dma_wait3A_125] : memref<10016x128xf32, #tpu.memory_space<vmem_shared>> -> memref<10016x128xf32, #tpu.memory_space<vmem_shared>>
      tpu.wait_indirect_dma semaphore(%arg15 : memref<!tpu.dma_semaphore, #tpu.memory_space<semaphore_mem>>) src(%arg12 : memref<128x128xf32, #tpu.memory_space<vmem>>) dst(%dma_wait3A_126 : memref<10016x128xf32, #tpu.memory_space<vmem_shared>>)
      %barrier3A_127 = arith.constant 0 : index
      tpu.barrier barrier_id(%barrier3A_127)
      %mul3A_128 = arith.constant 626 : i32
      %mul3A_129 = arith.muli %arg1, %mul3A_128 : i32
      "tpu.region"() ({
        %run_scoped3A = tpu.sem_alloc : memref<!tpu.dma_semaphore, #tpu.memory_space<semaphore_mem>>
        %dma_start3A_130 = arith.constant 0 : i32
        %dma_start3A_131 = arith.constant 0 : i32
        %dma_start3A_132 = tpu.memref_slice %arg8[%arg1, %dma_start3A_130, %dma_start3A_131] : memref<16x626x128xf32, #tpu.memory_space<hbm>> -> memref<1x626x128xf32, #tpu.memory_space<hbm>>
        %dma_start3A_133 = tpu.memref_squeeze %dma_start3A_132 : memref<1x626x128xf32, #tpu.memory_space<hbm>> -> memref<626x128xf32, #tpu.memory_space<hbm>>
        %dma_start3A_134 = arith.constant 0 : i32
        %dma_start3A_135 = tpu.memref_slice %arg13[%mul3A_129, %dma_start3A_134] : memref<10016x128xf32, #tpu.memory_space<vmem_shared>> -> memref<626x128xf32, #tpu.memory_space<vmem_shared>>
        tpu.enqueue_dma source(%dma_start3A_135 : memref<626x128xf32, #tpu.memory_space<vmem_shared>>) target(%dma_start3A_133 : memref<626x128xf32, #tpu.memory_space<hbm>>) target_semaphore(%run_scoped3A : memref<!tpu.dma_semaphore, #tpu.memory_space<semaphore_mem>>)
        %dma_wait3A_136 = arith.constant 0 : i32
        %dma_wait3A_137 = arith.constant 0 : i32
        %dma_wait3A_138 = tpu.memref_slice %arg8[%arg1, %dma_wait3A_136, %dma_wait3A_137] : memref<16x626x128xf32, #tpu.memory_space<hbm>> -> memref<1x626x128xf32, #tpu.memory_space<hbm>>
        %dma_wait3A_139 = tpu.memref_squeeze %dma_wait3A_138 : memref<1x626x128xf32, #tpu.memory_space<hbm>> -> memref<626x128xf32, #tpu.memory_space<hbm>>
        %dma_wait3A_140 = arith.constant 0 : i32
        %dma_wait3A_141 = tpu.memref_slice %arg13[%mul3A_129, %dma_wait3A_140] : memref<10016x128xf32, #tpu.memory_space<vmem_shared>> -> memref<626x128xf32, #tpu.memory_space<vmem_shared>>
        tpu.wait_dma2 semaphore(%run_scoped3A : memref<!tpu.dma_semaphore, #tpu.memory_space<semaphore_mem>>) src(%dma_wait3A_141 : memref<626x128xf32, #tpu.memory_space<vmem_shared>>) dst(%dma_wait3A_139 : memref<626x128xf32, #tpu.memory_space<hbm>>)
        tpu.yield
      }) : () -> ()
    } else {
    }
    return
  }
}

module attributes {stable_mosaic.version = 14 : i64} {
  func.func @_matmul_body(%arg0: i32, %arg1: memref<1000x256xf32, #tpu.memory_space<vmem>>, %arg2: memref<256x256xf32, #tpu.memory_space<vmem>>, %arg3: memref<1000x256xf32, #tpu.memory_space<vmem>>) attributes {dimension_semantics = [#tpu.dimension_semantics<arbitrary>], iteration_bounds = array<i64: 10>, scalar_prefetch = 0 : i64, scratch_operands = 0 : i64, tpu.core_type = #tpu.core_type<tc>, window_params = [{transform_indices = @transform_0, window_bounds = array<i64: 1000, 256>}, {pipeline_mode = #tpu.pipeline_mode<synchronous>, transform_indices = @transform_1, window_bounds = array<i64: 256, 256>}, {transform_indices = @transform_2, window_bounds = array<i64: 1000, 256>}]} {
    %get3A = arith.constant 0 : index
    %get3A_0 = arith.constant 0 : index
    %get3A_1 = vector.load %arg1[%get3A, %get3A_0] : memref<1000x256xf32, #tpu.memory_space<vmem>>, vector<1000x256xf32>
    %get3A_2 = arith.constant 0 : index
    %get3A_3 = arith.constant 0 : index
    %get3A_4 = vector.load %arg2[%get3A_2, %get3A_3] : memref<256x256xf32, #tpu.memory_space<vmem>>, vector<256x256xf32>
    %dot_general3A = arith.constant dense<0.000000e+00> : vector<1000x256xf32>
    %dot_general3A_5 = tpu.matmul %get3A_1, %get3A_4, %dot_general3A {dimension_numbers = #tpu.dot_dimension_numbers<[1], [0], [0], [1], [0, 0, 1, 1], [], []>, precision = #tpu.contract_precision<fp32>, transpose_lhs_hint = false} : vector<1000x256xf32>, vector<256x256xf32>, vector<1000x256xf32> -> vector<1000x256xf32>
    %swap3A = arith.constant 0 : index
    %swap3A_6 = arith.constant 0 : index
    %swap3A_7 = vector.load %arg3[%swap3A, %swap3A_6] : memref<1000x256xf32, #tpu.memory_space<vmem>>, vector<1000x256xf32>
    tpu.vector_store %arg3[%swap3A, %swap3A_6], %dot_general3A_5 {strides = array<i32>} : memref<1000x256xf32, #tpu.memory_space<vmem>>, vector<1000x256xf32>,
    return
  }
  func.func @transform_0(%arg0: i32) -> (i32, i32) {
    %c0_i32 = arith.constant 0 : i32
    %c0_i32_0 = arith.constant 0 : i32
    return %arg0, %c0_i32 : i32, i32
  }
  func.func @transform_1(%arg0: i32) -> (i32, i32) {
    %c0_i32 = arith.constant 0 : i32
    %c0_i32_0 = arith.constant 0 : i32
    %c0_i32_1 = arith.constant 0 : i32
    return %c0_i32, %c0_i32_0 : i32, i32
  }
  func.func @transform_2(%arg0: i32) -> (i32, i32) {
    %c0_i32 = arith.constant 0 : i32
    %c0_i32_0 = arith.constant 0 : i32
    return %arg0, %c0_i32 : i32, i32
  }
}

module attributes {stable_mosaic.version = 14 : i64} {
  func.func @_degsum_body(%arg0: memref<16x10240xi32, #tpu.memory_space<vmem>>, %arg1: memref<16x10240xi32, #tpu.memory_space<vmem>>, %arg2: memref<1x10240xf32, #tpu.memory_space<vmem>>, %arg3: memref<1x10240xf32, #tpu.memory_space<vmem>>) attributes {dimension_semantics = [], scalar_prefetch = 0 : i64, scratch_operands = 0 : i64, tpu.core_type = #tpu.core_type<tc>} {
    %get3A = arith.constant 0 : index
    %get3A_0 = arith.constant 0 : index
    %get3A_1 = vector.load %arg0[%get3A, %get3A_0] : memref<16x10240xi32, #tpu.memory_space<vmem>>, vector<16x10240xi32>
    %reduce_sum3A = arith.constant dense<0> : vector<10240xi32>
    %reduce_sum3A_2 = vector.multi_reduction <add>, %get3A_1, %reduce_sum3A [0] : vector<16x10240xi32> to vector<10240xi32>
    %broadcast_in_dim3A = vector.shape_cast %reduce_sum3A_2 : vector<10240xi32> to vector<1x10240xi32>
    %convert_element_type3A = arith.sitofp %broadcast_in_dim3A : vector<1x10240xi32> to vector<1x10240xf32>
    %get3A_3 = arith.constant 0 : index
    %get3A_4 = arith.constant 0 : index
    %get3A_5 = vector.load %arg1[%get3A_3, %get3A_4] : memref<16x10240xi32, #tpu.memory_space<vmem>>, vector<16x10240xi32>
    %reduce_sum3A_6 = arith.constant dense<0> : vector<10240xi32>
    %reduce_sum3A_7 = vector.multi_reduction <add>, %get3A_5, %reduce_sum3A_6 [0] : vector<16x10240xi32> to vector<10240xi32>
    %broadcast_in_dim3A_8 = vector.shape_cast %reduce_sum3A_7 : vector<10240xi32> to vector<1x10240xi32>
    %convert_element_type3A_9 = arith.sitofp %broadcast_in_dim3A_8 : vector<1x10240xi32> to vector<1x10240xf32>
    %max3A = arith.constant 1.000000e+00 : f32
    %max3A_10 = vector.broadcast %max3A : f32 to vector<1x10240xf32>
    %max3A_11 = arith.maximumf %convert_element_type3A, %max3A_10 : vector<1x10240xf32>
    %rsqrt3A = math.rsqrt %max3A_11 : vector<1x10240xf32>
    %swap3A = arith.constant 0 : index
    %swap3A_12 = arith.constant 0 : index
    %swap3A_13 = vector.load %arg2[%swap3A, %swap3A_12] : memref<1x10240xf32, #tpu.memory_space<vmem>>, vector<1x10240xf32>
    tpu.vector_store %arg2[%swap3A, %swap3A_12], %rsqrt3A {strides = array<i32>} : memref<1x10240xf32, #tpu.memory_space<vmem>>, vector<1x10240xf32>,
    %max3A_14 = arith.constant 1.000000e+00 : f32
    %max3A_15 = vector.broadcast %max3A_14 : f32 to vector<1x10240xf32>
    %max3A_16 = arith.maximumf %convert_element_type3A_9, %max3A_15 : vector<1x10240xf32>
    %rsqrt3A_17 = math.rsqrt %max3A_16 : vector<1x10240xf32>
    %swap3A_18 = arith.constant 0 : index
    %swap3A_19 = arith.constant 0 : index
    %swap3A_20 = vector.load %arg3[%swap3A_18, %swap3A_19] : memref<1x10240xf32, #tpu.memory_space<vmem>>, vector<1x10240xf32>
    tpu.vector_store %arg3[%swap3A_18, %swap3A_19], %rsqrt3A_17 {strides = array<i32>} : memref<1x10240xf32, #tpu.memory_space<vmem>>, vector<1x10240xf32>,
    return
  }
}

module attributes {stable_mosaic.version = 14 : i64} {
  func.func @_scale_body(%arg0: i32, %arg1: memref<1000x256xf32, #tpu.memory_space<vmem>>, %arg2: memref<1000x1xf32, #tpu.memory_space<vmem>>, %arg3: memref<1000x128xf32, #tpu.memory_space<vmem>>, %arg4: memref<1000x128xf32, #tpu.memory_space<vmem>>) attributes {dimension_semantics = [#tpu.dimension_semantics<arbitrary>], iteration_bounds = array<i64: 10>, scalar_prefetch = 0 : i64, scratch_operands = 0 : i64, tpu.core_type = #tpu.core_type<tc>, window_params = [{transform_indices = @transform_0, window_bounds = array<i64: 1000, 256>}, {transform_indices = @transform_1, window_bounds = array<i64: 1000, 1>}, {transform_indices = @transform_2, window_bounds = array<i64: 1000, 128>}, {transform_indices = @transform_3, window_bounds = array<i64: 1000, 128>}]} {
    %get3A = arith.constant 0 : index
    %get3A_0 = arith.constant 0 : index
    %get3A_1 = vector.load %arg1[%get3A, %get3A_0] : memref<1000x256xf32, #tpu.memory_space<vmem>>, vector<1000x256xf32>
    %get3A_2 = arith.constant 0 : index
    %get3A_3 = arith.constant 0 : index
    %get3A_4 = vector.load %arg2[%get3A_2, %get3A_3] : memref<1000x1xf32, #tpu.memory_space<vmem>>, vector<1000x1xf32>
    %mul3A = vector.broadcast %get3A_4 : vector<1000x1xf32> to vector<1000x256xf32>
    %mul3A_5 = arith.mulf %get3A_1, %mul3A : vector<1000x256xf32>
    %slice3A = vector.extract_strided_slice %mul3A_5 {offsets = [0, 0], sizes = [1000, 128], strides = [1, 1]} : vector<1000x256xf32> to vector<1000x128xf32>
    %swap3A = arith.constant 0 : index
    %swap3A_6 = arith.constant 0 : index
    %swap3A_7 = vector.load %arg3[%swap3A, %swap3A_6] : memref<1000x128xf32, #tpu.memory_space<vmem>>, vector<1000x128xf32>
    tpu.vector_store %arg3[%swap3A, %swap3A_6], %slice3A {strides = array<i32>} : memref<1000x128xf32, #tpu.memory_space<vmem>>, vector<1000x128xf32>,
    %slice3A_8 = vector.extract_strided_slice %mul3A_5 {offsets = [0, 128], sizes = [1000, 128], strides = [1, 1]} : vector<1000x256xf32> to vector<1000x128xf32>
    %swap3A_9 = arith.constant 0 : index
    %swap3A_10 = arith.constant 0 : index
    %swap3A_11 = vector.load %arg4[%swap3A_9, %swap3A_10] : memref<1000x128xf32, #tpu.memory_space<vmem>>, vector<1000x128xf32>
    tpu.vector_store %arg4[%swap3A_9, %swap3A_10], %slice3A_8 {strides = array<i32>} : memref<1000x128xf32, #tpu.memory_space<vmem>>, vector<1000x128xf32>,
    return
  }
  func.func @transform_0(%arg0: i32) -> (i32, i32) {
    %c0_i32 = arith.constant 0 : i32
    %c0_i32_0 = arith.constant 0 : i32
    return %arg0, %c0_i32 : i32, i32
  }
  func.func @transform_1(%arg0: i32) -> (i32, i32) {
    %c0_i32 = arith.constant 0 : i32
    %c0_i32_0 = arith.constant 0 : i32
    return %arg0, %c0_i32 : i32, i32
  }
  func.func @transform_2(%arg0: i32) -> (i32, i32) {
    %c0_i32 = arith.constant 0 : i32
    %c0_i32_0 = arith.constant 0 : i32
    return %arg0, %c0_i32 : i32, i32
  }
  func.func @transform_3(%arg0: i32) -> (i32, i32) {
    %c0_i32 = arith.constant 0 : i32
    %c0_i32_0 = arith.constant 0 : i32
    return %arg0, %c0_i32 : i32, i32
  }
}

module attributes {stable_mosaic.version = 14 : i64} {
  func.func @_final_body(%arg0: i32, %arg1: memref<1000x128xf32, #tpu.memory_space<vmem>>, %arg2: memref<1000x128xf32, #tpu.memory_space<vmem>>, %arg3: memref<1000x1xf32, #tpu.memory_space<vmem>>, %arg4: memref<1x256xf32, #tpu.memory_space<vmem>>, %arg5: memref<1000x256xf32, #tpu.memory_space<vmem>>) attributes {dimension_semantics = [#tpu.dimension_semantics<arbitrary>], iteration_bounds = array<i64: 10>, scalar_prefetch = 0 : i64, scratch_operands = 0 : i64, tpu.core_type = #tpu.core_type<tc>, window_params = [{transform_indices = @transform_0, window_bounds = array<i64: 1000, 128>}, {transform_indices = @transform_1, window_bounds = array<i64: 1000, 128>}, {transform_indices = @transform_2, window_bounds = array<i64: 1000, 1>}, {pipeline_mode = #tpu.pipeline_mode<synchronous>, transform_indices = @transform_3, window_bounds = array<i64: 1, 256>}, {transform_indices = @transform_4, window_bounds = array<i64: 1000, 256>}]} {
    %get3A = arith.constant 0 : index
    %get3A_0 = arith.constant 0 : index
    %get3A_1 = vector.load %arg3[%get3A, %get3A_0] : memref<1000x1xf32, #tpu.memory_space<vmem>>, vector<1000x1xf32>
    %get3A_2 = arith.constant 0 : index
    %get3A_3 = arith.constant 0 : index
    %get3A_4 = vector.load %arg1[%get3A_2, %get3A_3] : memref<1000x128xf32, #tpu.memory_space<vmem>>, vector<1000x128xf32>
    %mul3A = vector.broadcast %get3A_1 : vector<1000x1xf32> to vector<1000x128xf32>
    %mul3A_5 = arith.mulf %get3A_4, %mul3A : vector<1000x128xf32>
    %get3A_6 = arith.constant 0 : index
    %get3A_7 = arith.constant 0 : index
    %get3A_8 = vector.load %arg4[%get3A_6, %get3A_7] : memref<1x256xf32, #tpu.memory_space<vmem>>, vector<1x128xf32>
    %add3A = vector.broadcast %get3A_8 : vector<1x128xf32> to vector<1000x128xf32>
    %add3A_9 = arith.addf %mul3A_5, %add3A : vector<1000x128xf32>
    %max3A = arith.constant 0.000000e+00 : f32
    %max3A_10 = vector.broadcast %max3A : f32 to vector<1000x128xf32>
    %max3A_11 = arith.maximumf %add3A_9, %max3A_10 : vector<1000x128xf32>
    %swap3A = arith.constant 0 : index
    %swap3A_12 = arith.constant 0 : index
    %swap3A_13 = vector.load %arg5[%swap3A, %swap3A_12] : memref<1000x256xf32, #tpu.memory_space<vmem>>, vector<1000x128xf32>
    tpu.vector_store %arg5[%swap3A, %swap3A_12], %max3A_11 {strides = array<i32>} : memref<1000x256xf32, #tpu.memory_space<vmem>>, vector<1000x128xf32>,
    %get3A_14 = arith.constant 0 : index
    %get3A_15 = arith.constant 0 : index
    %get3A_16 = vector.load %arg2[%get3A_14, %get3A_15] : memref<1000x128xf32, #tpu.memory_space<vmem>>, vector<1000x128xf32>
    %mul3A_17 = vector.broadcast %get3A_1 : vector<1000x1xf32> to vector<1000x128xf32>
    %mul3A_18 = arith.mulf %get3A_16, %mul3A_17 : vector<1000x128xf32>
    %get3A_19 = arith.constant 0 : index
    %get3A_20 = arith.constant 128 : index
    %get3A_21 = vector.load %arg4[%get3A_19, %get3A_20] : memref<1x256xf32, #tpu.memory_space<vmem>>, vector<1x128xf32>
    %add3A_22 = vector.broadcast %get3A_21 : vector<1x128xf32> to vector<1000x128xf32>
    %add3A_23 = arith.addf %mul3A_18, %add3A_22 : vector<1000x128xf32>
    %max3A_24 = arith.constant 0.000000e+00 : f32
    %max3A_25 = vector.broadcast %max3A_24 : f32 to vector<1000x128xf32>
    %max3A_26 = arith.maximumf %add3A_23, %max3A_25 : vector<1000x128xf32>
    %swap3A_27 = arith.constant 0 : index
    %swap3A_28 = arith.constant 128 : index
    %swap3A_29 = vector.load %arg5[%swap3A_27, %swap3A_28] : memref<1000x256xf32, #tpu.memory_space<vmem>>, vector<1000x128xf32>
    tpu.vector_store %arg5[%swap3A_27, %swap3A_28], %max3A_26 {strides = array<i32>} : memref<1000x256xf32, #tpu.memory_space<vmem>>, vector<1000x128xf32>,
    return
  }
  func.func @transform_0(%arg0: i32) -> (i32, i32) {
    %c0_i32 = arith.constant 0 : i32
    %c0_i32_0 = arith.constant 0 : i32
    return %arg0, %c0_i32 : i32, i32
  }
  func.func @transform_1(%arg0: i32) -> (i32, i32) {
    %c0_i32 = arith.constant 0 : i32
    %c0_i32_0 = arith.constant 0 : i32
    return %arg0, %c0_i32 : i32, i32
  }
  func.func @transform_2(%arg0: i32) -> (i32, i32) {
    %c0_i32 = arith.constant 0 : i32
    %c0_i32_0 = arith.constant 0 : i32
    return %arg0, %c0_i32 : i32, i32
  }
  func.func @transform_3(%arg0: i32) -> (i32, i32) {
    %c0_i32 = arith.constant 0 : i32
    %c0_i32_0 = arith.constant 0 : i32
    %c0_i32_1 = arith.constant 0 : i32
    return %c0_i32, %c0_i32_0 : i32, i32
  }
  func.func @transform_4(%arg0: i32) -> (i32, i32) {
    %c0_i32 = arith.constant 0 : i32
    %c0_i32_0 = arith.constant 0 : i32
    return %arg0, %c0_i32 : i32, i32
  }
}

</mosaic_0001>

<sc_bundles>
// kernel: kernel.11.cloned.1.call-start
scs
__scs_entry_jumppad:
0x0: {  	(pc) =	sbr.rel $0x88, $3  }
0x1: {  	(tag) =	ssettag $0x0;
	lr =	simm.s32 $0x1  }
0x2: {  	[smem:$0x3F9D] =	sst lr;
	_ =	strace $0xD0000000  }
0x3: {  	_ = 	snop  }
0x4: {  	_ = 	snop  }
0x5: {  	_ = 	snop  }
0x6: {  	_ = 	snop  }
0x7: {  	_ = 	snop  }
__scs_overlays_trampoline_lowered:
0x8: {  	[smem:$0x3FAC] =	sst s0  }
0x9: {  	[smem:$0x3FAD] =	sst s1  }
0xa: {  	[smem:$0x3FAE] =	sst s2  }
0xb: {  	[smem:$0x3FAF] =	sst s3  }
0xc: {  	[smem:$0x3FB0] =	sst s4  }
0xd: {  	[smem:$0x3FB1] =	sst s5  }
0xe: {  	[smem:$0x3FB2] =	sst s6  }
0xf: {  	[smem:$0x3FB3] =	sst s7  }
0x10: {  	[smem:$0x3FB4] =	sst s8  }
0x11: {  	[smem:$0x3FB5] =	sst s9;
	s0 =	simm.s32 @!p0 $0x0  }
0x12: {  	s1 =	sld [smem:$0x3F9B];
	s0 =	simm.s32 @p0 $0x1  }
0x13: {  	[smem:$0x3FB6] =	sst s0;
	s0 =	simm.s32 @!p1 $0x0  }
0x14: {  	s2 =	sld [smem:$0x3F9A];
	s0 =	simm.s32 @p1 $0x1  }
0x15: {  	[smem:$0x3FB7] =	sst s0;
	s0 =	simm.s32 @!p2 $0x0  }
0x16: {  	s3 =	sld [smem:$0x3FDB];
	s0 =	simm.s32 @p2 $0x1  }
0x17: {  	s4 =	simm.s32 $0x1BF5;
	[smem:$0x3FB9] =	sst s0  }
0x18: {  	s0 =	sld [smem:$0x3F9C];
	_ =	swait.ge [sflag:s4], $0x0  }
0x19: {  	s7 =	sld [smem:$0x3F9D]  }
0x1a: {  	s8 =	sadd.s32 $0xFFFFE003, lr  }
0x1b: {  	s9 =	sadd.s32 $0xFFFFFEF7, lr;
	s5 =	simm.s32 $0xFFFFFFFF;
	p2 =	slt.u32 s8, $0xFFFFF086  }
0x1c: {  	p1 =	slt.u32 s9, $0xF7A;
	s5 =	simm.s32 @!p2 $0x0  }
0x1d: {  	s5 =	simm.s32 @p1 $0x1;
	p0 =	seq.s32 s7, s2  }
0x1e: {  	s7 =	smul.u32 @!p0 $0xF7A, s2;
	p2 =	seq.s32 @!p0 s5, $0x0  }
0x1f: {  	s9 =	smul.u32 $0xF7A, s1;
	s8 =	simm.s32 @!p0 $0x1BF5;
	p2 =	por !p2, p0  }
0x20: {  	[sflag:s8] =	ssyncset.s32 @!p0 $0xFFFFF086;
	s6 =	sadd.s32 @!p0 s3, s7;
	s7 =	simm.s32 @!p0 $0x108  }
0x21: {  	s3 =	sadd.s32 s3, s9;
	s6 =	sadd.s32 @!p0 $0x88, s6;
	s7 =	simm.s32 @p2 $0x1082  }
0x22: {  	[simem:s7], [sflag:s8] =	dma.local @!p0 [hbm:s6], $0xF7A  }
0x23: {  	s9 =	sor.u32 $0xD0000000, s2;
	s6 =	simm.s32 $0x108;
	_ =	swait.ge @!p0 [sflag:s8], $0x0  }
0x24: {  	s3 =	sadd.s32 $0x88, s3;
	s6 =	simm.s32 @!p1 $0x1082;
	[sflag:s4] =	ssyncset.s32 $0xFFFFF086  }
0x25: {  	[simem:s6], [sflag:s4] =	dma.local [hbm:s3], $0xF7A  }
0x26: {  	[smem:$0x3F9D] =	sst s1;
	(tag) =	ssettag s2;
	_ =	strace s9  }
0x27: {  	s1 =	sld [smem:$0x3FAD]  }
0x28: {  	s2 =	sld [smem:$0x3FAE]  }
0x29: {  	s4 =	sld [smem:$0x3FB0]  }
0x2a: {  	p0 =	seq.s32 s5, $0x0;
	s5 =	sld [smem:$0x3FB1]  }
0x2b: {  	s6 =	sld [smem:$0x3FB2]  }
0x2c: {  	s7 =	sld [smem:$0x3FB3]  }
0x2d: {  	s3 =	simm.s32 $0x108;
	s8 =	sld [smem:$0x3FB4]  }
0x2e: {  	s3 =	simm.s32 @!p0 $0x1082;
	s9 =	sld [smem:$0x3FB5]  }
0x2f: {  	lr =	sadd.s32 s0, s3;
	s0 =	sld [smem:$0x3FAC]  }
0x30: {  	s3 =	sld [smem:$0x3FAF]  }
0x31: {  	[smem:$0x3FB8] =	sst s10  }
0x32: {  	s10 =	sld [smem:$0x3FB6];
	_ =	sdelay $0x3  }
0x33: {  	p0 =	seq.s32 s10, $0x1;
	s10 =	sld [smem:$0x3FB8];
	_ =	sdelay $0x3  }
0x34: {  	[smem:$0x3FB8] =	sst s10  }
0x35: {  	s10 =	sld [smem:$0x3FB7];
	_ =	sdelay $0x3  }
0x36: {  	p1 =	seq.s32 s10, $0x1;
	s10 =	sld [smem:$0x3FB8];
	_ =	sdelay $0x3  }
0x37: {  	[smem:$0x3FB8] =	sst s10  }
0x38: {  	s10 =	sld [smem:$0x3FB9]  }
0x39: {  	_ = 	snop;
	(pc) =	sbr.ind lr, $3  }
0x3a: {  	_ = 	snop  }
0x3b: {  	_ = 	snop  }
0x3c: {  	p2 =	seq.s32 s10, $0x1;
	s10 =	sld [smem:$0x3FB8]  }
0x3d: {  	_ =	shalt  }
0x3e: {  	_ =	shalt  }
0x3f: {  	_ =	shalt  }
0x40: {  	_ =	shalt  }
0x41: {  	_ =	shalt  }
0x42: {  	_ =	shalt  }
0x43: {  	_ =	shalt  }
0x44: {  	_ =	shalt  }
0x45: {  	_ =	shalt  }
0x46: {  	_ =	shalt  }
0x47: {  	_ =	shalt  }
0x48: {  	_ =	shalt  }
0x49: {  	_ =	shalt  }
0x4a: {  	_ =	shalt  }
0x4b: {  	_ =	shalt  }
0x4c: {  	_ =	shalt  }
0x4d: {  	_ =	shalt  }
0x4e: {  	_ =	shalt  }
0x4f: {  	_ =	shalt  }
0x50: {  	_ =	shalt  }
0x51: {  	_ =	shalt  }
0x52: {  	_ =	shalt  }
0x53: {  	_ =	shalt  }
0x54: {  	_ =	shalt  }
0x55: {  	_ =	shalt  }
0x56: {  	_ =	shalt  }
0x57: {  	_ =	shalt  }
0x58: {  	_ =	shalt  }
0x59: {  	_ =	shalt  }
0x5a: {  	_ =	shalt  }
0x5b: {  	_ =	shalt  }
0x5c: {  	_ =	shalt  }
0x5d: {  	_ =	shalt  }
0x5e: {  	_ =	shalt  }
0x5f: {  	_ =	shalt  }
0x60: {  	_ =	shalt  }
0x61: {  	_ =	shalt  }
0x62: {  	_ =	shalt  }
0x63: {  	_ =	shalt  }
0x64: {  	_ =	shalt  }
0x65: {  	_ =	shalt  }
0x66: {  	_ =	shalt  }
0x67: {  	_ =	shalt  }
0x68: {  	_ =	shalt  }
0x69: {  	_ =	shalt  }
0x6a: {  	_ =	shalt  }
0x6b: {  	_ =	shalt  }
0x6c: {  	_ =	shalt  }
0x6d: {  	_ =	shalt  }
0x6e: {  	_ =	shalt  }
0x6f: {  	_ =	shalt  }
0x70: {  	_ =	shalt  }
0x71: {  	_ =	shalt  }
0x72: {  	_ =	shalt  }
0x73: {  	_ =	shalt  }
0x74: {  	_ =	shalt  }
0x75: {  	_ =	shalt  }
0x76: {  	_ =	shalt  }
0x77: {  	_ =	shalt  }
0x78: {  	_ =	shalt  }
0x79: {  	_ =	shalt  }
0x7a: {  	_ =	shalt  }
0x7b: {  	_ =	shalt  }
0x7c: {  	_ =	shalt  }
0x7d: {  	_ =	shalt  }
0x7e: {  	_ =	shalt  }
0x7f: {  	_ =	shalt  }
0x80: {  	_ =	shalt  }
0x81: {  	_ =	shalt  }
0x82: {  	_ =	shalt  }
0x83: {  	_ =	shalt  }
0x84: {  	_ =	shalt  }
0x85: {  	_ =	shalt  }
0x86: {  	_ =	shalt  }
0x87: {  	_ =	shalt  }
.Lfunc_end0:
.L_simem_size_0:
called_computation.1_lowered:
.L_overlay_start_0:
0x88: {  	s2 =	sld [smem:$0x3FD9]  }
0x89: {  	s3 =	sld [smem:$0x3FFE];
	_ =	sdelay $0x1  }
0x8a: {  	s1 =	srdreg.scid  }
0x8b: {  	s0 =	sand.u32 $0x1, s1  }
0x8c: {  	s17 =	sshll.u32 s0, $0xA;
	s2 =	sadd.s32 s3, s2  }
0x8d: {  	s2 =	sadd.s32 s2, s17  }
0x8e: {  	[smem:$0x3FC4] =	sst s2  }
0x8f: {  	_ = 	snop  }
0x90: {  	s2 =	sld [smem:$0x3FD0];
	(tm) =	ssettm $0x1  }
0x91: {  	s18 =	sld [smem:$0x3FFB];
	_ =	sdelay $0x3  }
0x92: {  	_ =	strace s18  }
0x93: {  	s3 =	sld [smem:$0x3FFC];
	_ =	sdelay $0x3  }
0x94: {  	_ =	strace s3  }
0x95: {  	s3 =	sld [smem:$0x3FFD];
	_ =	sdelay $0x3  }
0x96: {  	_ =	strace s3  }
0x97: {  	_ =	strace $0x8FFFFFFF  }
0x98: {  	s19 =	sld [smem:$0x3FDB];
	_ =	sdelay $0x1  }
0x99: {  	s4 =	simm.s32 $_scs_section_size  }
0x9a: {  	s5 =	simm.s32 $_size__tile_overlayer_lowered;
	s6 =	simm.s32 $_tile_overlayer_lowered  }
0x9b: {  	s22 =	simm.s32 $0x1BFF;
	s21 =	sshll.u32 s6, $0x1;
	s3 =	sadd.s32 s4, s19  }
0x9c: {  	s7 =	simm.s32 $0x0;
	s20 =	sshll.u32 s5, $0x1;
	s5 =	sadd.s32 s21, s3  }
0x9d: {  	[timem:s7], [sflag:s22] =	dma.local [hbm:s5], s20  }
0x9e: {  	_ =	swait.ge [sflag:s22], s20  }
0x9f: {  	s4 =	ssub.s32 $0x0, s20;
	[sflag:s22] =	ssyncset.done $0x0  }
0xa0: {  	[sflag:s22] =	ssyncadd.s32 s4;
	_ =	sdelay $0x1  }
0xa1: {  	s23 =	simm.s32 $0x1B8B  }
0xa2: {  	_ =	swait.ge [sflag:s23], $0x1  }
0xa3: {  	[sflag:s23] =	ssyncset.done $0x0  }
0xa4: {  	s25 =	simm.s32 $0x1B8E;
	s24 =	sld [smem:$0x3FFE];
	[sflag:s23] =	ssyncadd.s32 $0xFFFFFFFF  }
0xa5: {  	s26 =	simm.s32 $execute0_lowered;
	[smem:$0x3FD2] =	sst s25  }
0xa6: {  	s5 =	sshll.u32 s26, $0x1;
	_ =	strace $0x80000049;
	[dreg:$0x1] =	wrdreg $0xFFFFFFFF  }
0xa7: {  	s28 =	simm.s32 $_size_execute0_lowered;
	s3 =	sadd.s32 s3, s5;
	[dreg:$0x0] =	wrdreg $0x0  }
0xa8: {  	s5 =	sshll.u32 s28, $0x1;
	[dreg:$0x2] =	wrdreg s3  }
0xa9: {  	[dreg:$0x3] =	wrdreg s5  }
0xaa: {  	[dreg:$0x4] =	wrdreg $0xC0  }
0xab: {  	_ =	task [dreg:s7], $0x5FFFF  }
0xac: {  	[dreg:$0x1] =	wrdreg $0xFFFFFFFF  }
0xad: {  	[dreg:$0x0] =	wrdreg $0x60  }
0xae: {  	[dreg:$0x2] =	wrdreg s24  }
0xaf: {  	[dreg:$0x3] =	wrdreg s2  }
0xb0: {  	[dreg:$0x4] =	wrdreg $0xA8000  }
0xb1: {  	[dreg:$0x5] =	wrdreg $0x9  }
0xb2: {  	_ =	task.clear_ibuf [dreg:s7], $0x6FFFF;
	_ =	strace $0x90000049  }
0xb3: {  	s29 =	simm.s32 $0x9;
	_ =	strace $0x8000004B  }
0xb4: {  	_ =	swait.ge [sflag:s29], $0x1  }
0xb5: {  	[sflag:s29] =	ssyncadd.s32 $0xFFFFFFFF  }
0xb6: {  	_ =	strace $0x9000004B  }
0xb7: {  	_ =	sfence  }
0xb8: {  	s30 =	sld [smem:$0x0];
	_ =	sdelay $0x2  }
0xb9: {  	s31 =	sshll.u32 s1, $0xD;
	s1 =	sshrl.u32 s1, $0x2  }
0xba: {  	s3 =	sand.u32 $0x4000, s31;
	s1 =	sadd.s32 s1, s30  }
0xbb: {  	s0 =	sor.u32 s3, s0;
	s1 =	sshll.u32 s1, $0x11  }
0xbc: {  	s0 =	sor.u32 s1, s0  }
0xbd: {  	s0 =	sadd.s32 $0x8F2B, s0  }
0xbe: {  	[sflag:s0] =	ssyncadd.remote.s32 $0x1  }
0xbf: {  	_ =	sfence.sel $0xFFFF  }
0xc0: {  	[dreg:$0x0] =	wrdreg $0xFFFFFFFF;
	(pc) =	sbr.abs _section_cstart, $3  }
0xc1: {  	[dreg:$0x1] =	wrdreg $0xFFFFFFFF  }
0xc2: {  	_ =	task.clear_ibuf [dreg:s7], $0x2FFFF;
	_ =	strace $0x9FFFFFFF  }
0xc3: {  	(tm) =	ssettm $0x7FFFFFFF  }
tec
execute0_lowered:
.L_overlay_start_1:
0x0: {  	(tag) =	ssettag $0x1  }
0x1: {  	s8 =	rddreg [dreg:$0x0]  }
0x2: {  	s9 =	rddreg [dreg:$0x1]  }
0x3: {  	s2 =	rddreg [dreg:$0x2];
	s3 =	simm.s32 $0x0  }
0x4: {  	s1 =	stileid.u32;
	s7 =	srdreg.scid;
	s16 =	simm.s32 $0x1400  }
0x5: {  	s17 =	simm.s32 $0x80;
	s18 =	simm.s32 $0x2800;
	s19 =	simm.s32 $0x6800  }
0x6: {  	s20 =	simm.s32 $0x1;
	s21 =	simm.s32 $0x2;
	s22 =	simm.s32 $0x1380  }
0x7: {  	s23 =	simm.s32 $0x2700;
	s24 =	simm.s32 $0x2780;
	s26 =	simm.s32 $0x0  }
0x8: {  	[smem:$0x7FF] =	sst s3;
	s6 =	smul.u32 $0x500, s1;
	s4 =	sadd.s32 $0x42400, s8  }
0x9: {  	s5 =	sadd.s32 $0x1B200, s8;
	s11 =	sand.u32 $0x1, s7;
	s13 =	smul.u32 $0x4E400, s1  }
0xa: {  	s7 =	smul.u32 $0x2780, s1;
	s31 =	sshll.u32 s1, $0x6;
	_ =	strace $0x8000004A  }
0xb: {  	s10 =	ssub.s32 $0x2, s11;
	p0 =	seq.s32 s11, $0x1;
	s12 =	sadd.s32 s6, s8  }
.Ltmp0:
0xc: {  	s6 =	sadd.s32 $0x69600, s8;
	s14 =	sshrl.u32 s10, $0x1;
	(pc) =	sbr.rel .LBB2_1-.Ltmp0, $4  }
0xd: {  	s8 =	sadd.s32 $0x90E00, s8;
	s30 =	sshrl.u32 s13, $0x2;
	s9 =	sadd.s32 s9, s7  }
0xe: {  	s14 =	ssub.s32 s10, s14;
	s15 =	sadd.s32 s30, s2;
	s10 =	sor.u32 $0x1C03, s31  }
0xf: {  	s11 =	sadd.s32 $0x16200, s12;
	s12 =	sadd.s32 $0x2200, s12;
	s13 =	smax.u32 s14, $0x1  }
0x10: {  	s14 =	sshrl.u32 s15, $0x3;
	s15 =	simm.s32 $0x3;
	s25 =	sadd.s32 $0x280, s11  }
.LBB2_11:
0x11: {  	s0 =	sadd.s32 $0x80, s28;
	[sflag:s21] =	ssyncadd.s32 $0xFFFFC000  }
0x12: {  	[tilespmem:s19], [sflag:$0x2] =	stream.indirect.gather [hbm4b:s5+s17], $0x80, s0, s17, $0xb8;
	[tilespmem:$0x1E100] =	vst v63  }
0x13: {  	_ =	swait.ge [sflag:s20], $0x4000  }
0x14: {  	[sflag:s20] =	ssyncset.done $0x0  }
0x15: {  	s31 =	sadd.s32 $0x1400, s28;
	[sflag:s20] =	ssyncadd.s32 $0xFFFFC000  }
0x16: {  	[spmem:s2] =	stream.indirect.scatter.add.f32 [tilespmem:s18], [sflag:$0x1], $0x80, s31, s17, $0xb8;
	[tilespmem:$0x1E100] =	vst v63  }
0x17: {  	_ =	swait.ge [sflag:s20], $0x4000  }
0x18: {  	[sflag:s20] =	ssyncset.done $0x0  }
0x19: {  	s30 =	sadd.s32 $0x100, s28;
	[sflag:s20] =	ssyncadd.s32 $0xFFFFC000  }
0x1a: {  	[tilespmem:s18], [sflag:$0x1] =	stream.indirect.gather [hbm4b:s5+s17], $0x80, s30, s17, $0xb8;
	[tilespmem:$0x1E100] =	vst v63  }
0x1b: {  	_ =	swait.ge [sflag:s21], $0x4000  }
0x1c: {  	[sflag:s21] =	ssyncset.done $0x0  }
0x1d: {  	s31 =	sadd.s32 $0x1480, s28;
	[sflag:s21] =	ssyncadd.s32 $0xFFFFC000  }
0x1e: {  	[spmem:s2] =	stream.indirect.scatter.add.f32 [tilespmem:s19], [sflag:$0x2], $0x80, s31, s17, $0xb8;
	[tilespmem:$0x1E100] =	vst v63  }
0x1f: {  	_ =	swait.ge [sflag:s21], $0x4000  }
0x20: {  	[sflag:s21] =	ssyncset.done $0x0  }
0x21: {  	s29 =	smov.u32 s5;
	s28 =	smov.u32 s8;
	[sflag:s21] =	ssyncadd.s32 $0xFFFFC000  }
.LBB2_12:
0x22: {  	[tilespmem:s19], [sflag:$0x2] =	stream.indirect.gather [hbm4b:s29+s17], $0x80, s22, s17, $0xb8;
	[tilespmem:$0x1E100] =	vst v63  }
0x23: {  	_ =	swait.ge [sflag:s20], $0x4000  }
0x24: {  	[sflag:s20] =	ssyncset.done $0x0  }
0x25: {  	[sflag:s20] =	ssyncadd.s32 $0xFFFFC000  }
0x26: {  	[spmem:s2] =	stream.indirect.scatter.add.f32 [tilespmem:s18], [sflag:$0x1], $0x80, s23, s17, $0xb8;
	[tilespmem:$0x1E100] =	vst v63  }
0x27: {  	_ =	swait.ge [sflag:s20], $0x4000  }
0x28: {  	[sflag:s20] =	ssyncset.done $0x0  }
0x29: {  	[sflag:s20] =	ssyncadd.s32 $0xFFFFC000  }
0x2a: {  	_ =	swait.ge [sflag:s21], $0x4000  }
0x2b: {  	[sflag:s21] =	ssyncset.done $0x0  }
0x2c: {  	[sflag:s21] =	ssyncadd.s32 $0xFFFFC000  }
0x2d: {  	[spmem:s2] =	stream.indirect.scatter.add.f32 [tilespmem:s19], [sflag:$0x2], $0x80, s24, s17, $0xb8;
	[tilespmem:$0x1E100] =	vst v63  }
0x2e: {  	_ =	swait.ge [sflag:s21], $0x4000  }
0x2f: {  	s26 =	sadd.s32 $0x1, s26;
	[sflag:s21] =	ssyncset.done $0x0  }
0x30: {  	p1 =	sne.s32 s26, s13;
	[sflag:s21] =	ssyncadd.s32 $0xFFFFC000  }
.Ltmp1:
0x31: {  	s0 =	sadd.s32 s28, s7;
	[bflag:$0x0] =	sbarrier.arrive $0xFFFF;
	(pc) =	sbr.rel @!p1 .LBB2_13-.Ltmp1, $4  }
0x32: {  	[hbm:s0], [sflag:s10] =	dma.local [spmem:s14], $0x2720  }
0x33: {  	_ =	swait.ge [sflag:s15], $0x2720  }
0x34: {  	[sflag:s15] =	ssyncset.done $0x0  }
0x35: {  	[sflag:s15] =	ssyncadd.s32 $0xFFFFD8E0  }
.LBB2_1:
0x36: {  	[spmem:s14], [sflag:s10] =	dma.local [hbm:s9], $0x2720  }
0x37: {  	_ =	swait.ge [sflag:s15], $0x2720  }
0x38: {  	[sflag:s15] =	ssyncset.done $0x0  }
0x39: {  	[sflag:s15] =	ssyncadd.s32 $0xFFFFD8E0  }
0x3a: {  	[bflag:$0x0] =	sbarrier.arrive $0xFFFF  }
0x3b: {  	[tilespmem:s3], [sflag:$0x3] =	stream.linear.gather [hbm4b:s11+s3], $0x1400, $0x38;
	[tilespmem:$0x1E100] =	vst v63  }
0x3c: {  	_ =	swait.ge [sflag:s15], $0x1400  }
0x3d: {  	[sflag:s15] =	ssyncset.done $0x0  }
.Ltmp2:
0x3e: {  	[sflag:s15] =	ssyncadd.s32 $0xFFFFEC00;
	(pc) =	sbr.rel @!p0 .LBB2_2-.Ltmp2, $4  }
0x3f: {  	[tilespmem:s16], [sflag:$0x3] =	stream.linear.gather [hbm4b:s12+s3], $0x1400, $0x38;
	[tilespmem:$0x1E100] =	vst v63  }
0x40: {  	_ =	swait.ge [sflag:s15], $0x1400  }
0x41: {  	[sflag:s15] =	ssyncset.done $0x0  }
0x42: {  	[sflag:s15] =	ssyncadd.s32 $0xFFFFEC00  }
0x43: {  	s0 =	simm.s32 $0x0  }
0x44: {  	[tilespmem:s18], [sflag:$0x1] =	stream.indirect.gather [hbm4b:s5+s17], $0x80, s0, s17, $0xb8;
	[tilespmem:$0x1E100] =	vst v63  }
0x45: {  	s30 =	simm.s32 $0x80  }
0x46: {  	[tilespmem:s19], [sflag:$0x2] =	stream.indirect.gather [hbm4b:s5+s17], $0x80, s30, s17, $0xb8;
	[tilespmem:$0x1E100] =	vst v63  }
0x47: {  	_ =	swait.ge [sflag:s20], $0x4000  }
0x48: {  	[sflag:s20] =	ssyncset.done $0x0  }
0x49: {  	s31 =	simm.s32 $0x1400;
	[sflag:s20] =	ssyncadd.s32 $0xFFFFC000  }
0x4a: {  	[spmem:s2] =	stream.indirect.scatter.add.f32 [tilespmem:s18], [sflag:$0x1], $0x80, s31, s17, $0xb8;
	[tilespmem:$0x1E100] =	vst v63  }
0x4b: {  	_ =	swait.ge [sflag:s20], $0x4000  }
0x4c: {  	[sflag:s20] =	ssyncset.done $0x0  }
0x4d: {  	s30 =	simm.s32 $0x100;
	[sflag:s20] =	ssyncadd.s32 $0xFFFFC000  }
0x4e: {  	[tilespmem:s18], [sflag:$0x1] =	stream.indirect.gather [hbm4b:s5+s17], $0x80, s30, s17, $0xb8;
	[tilespmem:$0x1E100] =	vst v63  }
0x4f: {  	_ =	swait.ge [sflag:s21], $0x4000  }
0x50: {  	[sflag:s21] =	ssyncset.done $0x0  }
0x51: {  	s31 =	simm.s32 $0x1480;
	[sflag:s21] =	ssyncadd.s32 $0xFFFFC000  }
0x52: {  	[spmem:s2] =	stream.indirect.scatter.add.f32 [tilespmem:s19], [sflag:$0x2], $0x80, s31, s17, $0xb8;
	[tilespmem:$0x1E100] =	vst v63  }
0x53: {  	_ =	swait.ge [sflag:s21], $0x4000  }
0x54: {  	s29 =	simm.s32 $0x800;
	s28 =	simm.s32 $0x100;
	[sflag:s21] =	ssyncset.done $0x0  }
.LBB2_8:
0x55: {  	s0 =	sadd.s32 $0x80, s28  }
0x56: {  	[sflag:s21] =	ssyncadd.s32 $0xFFFFC000;
	s30 =	smov.u32 s29;
	s31 =	sadd.s32 $0x400, s29  }
0x57: {  	[tilespmem:s19], [sflag:$0x2] =	stream.indirect.gather [hbm4b:s5+s17], $0x80, s0, s17, $0xb8;
	[tilespmem:$0x1E100] =	vst v63  }
0x58: {  	p1 =	sne.s32 s29, $0x4800;
	_ =	swait.ge [sflag:s20], $0x4000  }
0x59: {  	[sflag:s20] =	ssyncset.done $0x0  }
0x5a: {  	s0 =	sadd.s32 $0x1400, s28;
	[sflag:s20] =	ssyncadd.s32 $0xFFFFC000  }
0x5b: {  	[spmem:s2] =	stream.indirect.scatter.add.f32 [tilespmem:s18], [sflag:$0x1], $0x80, s0, s17, $0xb8;
	[tilespmem:$0x1E100] =	vst v63  }
0x5c: {  	_ =	swait.ge [sflag:s20], $0x4000  }
0x5d: {  	[sflag:s20] =	ssyncset.done $0x0  }
0x5e: {  	s0 =	sadd.s32 $0x100, s28;
	[sflag:s20] =	ssyncadd.s32 $0xFFFFC000  }
0x5f: {  	[tilespmem:s18], [sflag:$0x1] =	stream.indirect.gather [hbm4b:s5+s17], $0x80, s0, s17, $0xb8;
	[tilespmem:$0x1E100] =	vst v63  }
0x60: {  	_ =	swait.ge [sflag:s21], $0x4000  }
.Ltmp3:
0x61: {  	[sflag:s21] =	ssyncset.done $0x0;
	(pc) =	sbr.rel @p1 .LBB2_8-.Ltmp3, $4  }
0x62: {  	s0 =	sadd.s32 $0x1480, s28;
	[sflag:s21] =	ssyncadd.s32 $0xFFFFC000  }
0x63: {  	[spmem:s2] =	stream.indirect.scatter.add.f32 [tilespmem:s19], [sflag:$0x2], $0x80, s0, s17, $0xb8;
	[tilespmem:$0x1E100] =	vst v63  }
0x64: {  	_ =	swait.ge [sflag:s21], $0x4000  }
0x65: {  	s29 =	smov.u32 s31;
	s28 =	sshra.s32 s30, $0x2;
	[sflag:s21] =	ssyncset.done $0x0  }
0x66: {  	s0 =	sadd.s32 $0x80, s28;
	[sflag:s21] =	ssyncadd.s32 $0xFFFFC000  }
0x67: {  	[tilespmem:s19], [sflag:$0x2] =	stream.indirect.gather [hbm4b:s5+s17], $0x80, s0, s17, $0xb8;
	[tilespmem:$0x1E100] =	vst v63  }
0x68: {  	_ =	swait.ge [sflag:s20], $0x4000  }
0x69: {  	[sflag:s20] =	ssyncset.done $0x0  }
0x6a: {  	s30 =	sadd.s32 $0x1400, s28;
	[sflag:s20] =	ssyncadd.s32 $0xFFFFC000  }
0x6b: {  	[spmem:s2] =	stream.indirect.scatter.add.f32 [tilespmem:s18], [sflag:$0x1], $0x80, s30, s17, $0xb8;
	[tilespmem:$0x1E100] =	vst v63  }
0x6c: {  	_ =	swait.ge [sflag:s20], $0x4000  }
0x6d: {  	[sflag:s20] =	ssyncset.done $0x0  }
0x6e: {  	s31 =	sadd.s32 $0x100, s28;
	[sflag:s20] =	ssyncadd.s32 $0xFFFFC000  }
0x6f: {  	[tilespmem:s18], [sflag:$0x1] =	stream.indirect.gather [hbm4b:s5+s17], $0x80, s31, s17, $0xb8;
	[tilespmem:$0x1E100] =	vst v63  }
0x70: {  	_ =	swait.ge [sflag:s21], $0x4000  }
0x71: {  	[sflag:s21] =	ssyncset.done $0x0  }
0x72: {  	s30 =	sadd.s32 $0x1480, s28;
	[sflag:s21] =	ssyncadd.s32 $0xFFFFC000  }
0x73: {  	[spmem:s2] =	stream.indirect.scatter.add.f32 [tilespmem:s19], [sflag:$0x2], $0x80, s30, s17, $0xb8;
	[tilespmem:$0x1E100] =	vst v63  }
0x74: {  	_ =	swait.ge [sflag:s21], $0x4000  }
0x75: {  	[sflag:s21] =	ssyncset.done $0x0  }
0x76: {  	[sflag:s21] =	ssyncadd.s32 $0xFFFFC000  }
0x77: {  	[tilespmem:s19], [sflag:$0x2] =	stream.indirect.gather [hbm4b:s5+s17], $0x80, s22, s17, $0xb8;
	[tilespmem:$0x1E100] =	vst v63  }
0x78: {  	_ =	swait.ge [sflag:s20], $0x4000  }
0x79: {  	[sflag:s20] =	ssyncset.done $0x0  }
0x7a: {  	[sflag:s20] =	ssyncadd.s32 $0xFFFFC000  }
0x7b: {  	[spmem:s2] =	stream.indirect.scatter.add.f32 [tilespmem:s18], [sflag:$0x1], $0x80, s23, s17, $0xb8;
	[tilespmem:$0x1E100] =	vst v63  }
0x7c: {  	_ =	swait.ge [sflag:s20], $0x4000  }
0x7d: {  	[sflag:s20] =	ssyncset.done $0x0  }
0x7e: {  	[sflag:s20] =	ssyncadd.s32 $0xFFFFC000  }
0x7f: {  	_ =	swait.ge [sflag:s21], $0x4000  }
0x80: {  	[sflag:s21] =	ssyncset.done $0x0  }
0x81: {  	[sflag:s21] =	ssyncadd.s32 $0xFFFFC000  }
0x82: {  	[spmem:s2] =	stream.indirect.scatter.add.f32 [tilespmem:s19], [sflag:$0x2], $0x80, s24, s17, $0xb8;
	[tilespmem:$0x1E100] =	vst v63  }
0x83: {  	_ =	swait.ge [sflag:s21], $0x4000  }
0x84: {  	[sflag:s21] =	ssyncset.done $0x0  }
0x85: {  	s31 =	simm.s32 $0x0;
	[sflag:s21] =	ssyncadd.s32 $0xFFFFC000  }
0x86: {  	[tilespmem:s31], [sflag:$0x3] =	stream.linear.gather [hbm4b:s25+s31], $0x1400, $0x38;
	[tilespmem:$0x1E100] =	vst v63  }
0x87: {  	_ =	swait.ge [sflag:s15], $0x1400  }
0x88: {  	[sflag:s15] =	ssyncset.done $0x0  }
0x89: {  	s28 =	sadd.s32 $0x280, s12;
	[sflag:s15] =	ssyncadd.s32 $0xFFFFEC00  }
0x8a: {  	[tilespmem:s16], [sflag:$0x3] =	stream.linear.gather [hbm4b:s28+s31], $0x1400, $0x38;
	[tilespmem:$0x1E100] =	vst v63  }
0x8b: {  	_ =	swait.ge [sflag:s15], $0x1400  }
0x8c: {  	[sflag:s15] =	ssyncset.done $0x0  }
0x8d: {  	[sflag:s15] =	ssyncadd.s32 $0xFFFFEC00  }
0x8e: {  	[tilespmem:s18], [sflag:$0x1] =	stream.indirect.gather [hbm4b:s5+s17], $0x80, s31, s17, $0xb8;
	[tilespmem:$0x1E100] =	vst v63  }
0x8f: {  	s30 =	simm.s32 $0x80  }
0x90: {  	[tilespmem:s19], [sflag:$0x2] =	stream.indirect.gather [hbm4b:s5+s17], $0x80, s30, s17, $0xb8;
	[tilespmem:$0x1E100] =	vst v63  }
0x91: {  	_ =	swait.ge [sflag:s20], $0x4000  }
0x92: {  	[sflag:s20] =	ssyncset.done $0x0  }
0x93: {  	s31 =	simm.s32 $0x1400;
	[sflag:s20] =	ssyncadd.s32 $0xFFFFC000  }
0x94: {  	[spmem:s2] =	stream.indirect.scatter.add.f32 [tilespmem:s18], [sflag:$0x1], $0x80, s31, s17, $0xb8;
	[tilespmem:$0x1E100] =	vst v63  }
0x95: {  	_ =	swait.ge [sflag:s20], $0x4000  }
0x96: {  	[sflag:s20] =	ssyncset.done $0x0  }
0x97: {  	s30 =	simm.s32 $0x100;
	[sflag:s20] =	ssyncadd.s32 $0xFFFFC000  }
0x98: {  	[tilespmem:s18], [sflag:$0x1] =	stream.indirect.gather [hbm4b:s5+s17], $0x80, s30, s17, $0xb8;
	[tilespmem:$0x1E100] =	vst v63  }
0x99: {  	_ =	swait.ge [sflag:s21], $0x4000  }
0x9a: {  	[sflag:s21] =	ssyncset.done $0x0  }
0x9b: {  	s31 =	simm.s32 $0x1480;
	[sflag:s21] =	ssyncadd.s32 $0xFFFFC000  }
0x9c: {  	[spmem:s2] =	stream.indirect.scatter.add.f32 [tilespmem:s19], [sflag:$0x2], $0x80, s31, s17, $0xb8;
	[tilespmem:$0x1E100] =	vst v63  }
0x9d: {  	_ =	swait.ge [sflag:s21], $0x4000  }
0x9e: {  	s29 =	simm.s32 $0x800;
	s28 =	simm.s32 $0x100;
	[sflag:s21] =	ssyncset.done $0x0  }
.LBB2_10:
0x9f: {  	s0 =	sadd.s32 $0x80, s28  }
0xa0: {  	[sflag:s21] =	ssyncadd.s32 $0xFFFFC000;
	s30 =	smov.u32 s29;
	s31 =	sadd.s32 $0x400, s29  }
0xa1: {  	[tilespmem:s19], [sflag:$0x2] =	stream.indirect.gather [hbm4b:s5+s17], $0x80, s0, s17, $0xb8;
	[tilespmem:$0x1E100] =	vst v63  }
0xa2: {  	p1 =	sne.s32 s29, $0x4800;
	_ =	swait.ge [sflag:s20], $0x4000  }
0xa3: {  	[sflag:s20] =	ssyncset.done $0x0  }
0xa4: {  	s0 =	sadd.s32 $0x1400, s28;
	[sflag:s20] =	ssyncadd.s32 $0xFFFFC000  }
0xa5: {  	[spmem:s2] =	stream.indirect.scatter.add.f32 [tilespmem:s18], [sflag:$0x1], $0x80, s0, s17, $0xb8;
	[tilespmem:$0x1E100] =	vst v63  }
0xa6: {  	_ =	swait.ge [sflag:s20], $0x4000  }
0xa7: {  	[sflag:s20] =	ssyncset.done $0x0  }
0xa8: {  	s0 =	sadd.s32 $0x100, s28;
	[sflag:s20] =	ssyncadd.s32 $0xFFFFC000  }
0xa9: {  	[tilespmem:s18], [sflag:$0x1] =	stream.indirect.gather [hbm4b:s5+s17], $0x80, s0, s17, $0xb8;
	[tilespmem:$0x1E100] =	vst v63  }
0xaa: {  	_ =	swait.ge [sflag:s21], $0x4000  }
.Ltmp4:
0xab: {  	[sflag:s21] =	ssyncset.done $0x0;
	(pc) =	sbr.rel @p1 .LBB2_10-.Ltmp4, $4  }
0xac: {  	s0 =	sadd.s32 $0x1480, s28;
	[sflag:s21] =	ssyncadd.s32 $0xFFFFC000  }
0xad: {  	[spmem:s2] =	stream.indirect.scatter.add.f32 [tilespmem:s19], [sflag:$0x2], $0x80, s0, s17, $0xb8;
	[tilespmem:$0x1E100] =	vst v63  }
0xae: {  	_ =	swait.ge [sflag:s21], $0x4000  }
0xaf: {  	s29 =	smov.u32 s31;
	s28 =	sshra.s32 s30, $0x2;
	[sflag:s21] =	ssyncset.done $0x0  }
.Ltmp5:
0xb0: {  	_ = 	snop;
	(pc) =	sbr.rel .LBB2_11-.Ltmp5, $1  }
0xb1: {  	_ =	sdelay $0x3  }
.LBB2_2:
0xb2: {  	s28 =	simm.s32 $0x0  }
0xb3: {  	[tilespmem:s18], [sflag:$0x1] =	stream.indirect.gather [hbm4b:s4+s17], $0x80, s28, s17, $0xb8;
	[tilespmem:$0x1E100] =	vst v63  }
0xb4: {  	s28 =	simm.s32 $0x80  }
0xb5: {  	[tilespmem:s19], [sflag:$0x2] =	stream.indirect.gather [hbm4b:s4+s17], $0x80, s28, s17, $0xb8;
	[tilespmem:$0x1E100] =	vst v63  }
0xb6: {  	_ =	swait.ge [sflag:s20], $0x4000  }
0xb7: {  	[sflag:s20] =	ssyncset.done $0x0  }
0xb8: {  	s28 =	simm.s32 $0x1400;
	[sflag:s20] =	ssyncadd.s32 $0xFFFFC000  }
0xb9: {  	[spmem:s2] =	stream.indirect.scatter.add.f32 [tilespmem:s18], [sflag:$0x1], $0x80, s28, s17, $0xb8;
	[tilespmem:$0x1E100] =	vst v63  }
0xba: {  	_ =	swait.ge [sflag:s20], $0x4000  }
0xbb: {  	[sflag:s20] =	ssyncset.done $0x0  }
0xbc: {  	s28 =	simm.s32 $0x100;
	[sflag:s20] =	ssyncadd.s32 $0xFFFFC000  }
0xbd: {  	[tilespmem:s18], [sflag:$0x1] =	stream.indirect.gather [hbm4b:s4+s17], $0x80, s28, s17, $0xb8;
	[tilespmem:$0x1E100] =	vst v63  }
0xbe: {  	_ =	swait.ge [sflag:s21], $0x4000  }
0xbf: {  	[sflag:s21] =	ssyncset.done $0x0  }
0xc0: {  	s28 =	simm.s32 $0x1480;
	[sflag:s21] =	ssyncadd.s32 $0xFFFFC000  }
0xc1: {  	[spmem:s2] =	stream.indirect.scatter.add.f32 [tilespmem:s19], [sflag:$0x2], $0x80, s28, s17, $0xb8;
	[tilespmem:$0x1E100] =	vst v63  }
0xc2: {  	_ =	swait.ge [sflag:s21], $0x4000  }
0xc3: {  	s29 =	simm.s32 $0x800;
	s28 =	simm.s32 $0x100;
	[sflag:s21] =	ssyncset.done $0x0  }
.LBB2_3:
0xc4: {  	s30 =	sadd.s32 $0x80, s28  }
0xc5: {  	[sflag:s21] =	ssyncadd.s32 $0xFFFFC000;
	s31 =	smov.u32 s29;
	s0 =	sadd.s32 $0x400, s29  }
0xc6: {  	[tilespmem:s19], [sflag:$0x2] =	stream.indirect.gather [hbm4b:s4+s17], $0x80, s30, s17, $0xb8;
	[tilespmem:$0x1E100] =	vst v63  }
0xc7: {  	p1 =	sne.s32 s29, $0x4800;
	_ =	swait.ge [sflag:s20], $0x4000  }
0xc8: {  	[sflag:s20] =	ssyncset.done $0x0  }
0xc9: {  	s29 =	sadd.s32 $0x1400, s28;
	[sflag:s20] =	ssyncadd.s32 $0xFFFFC000  }
0xca: {  	[spmem:s2] =	stream.indirect.scatter.add.f32 [tilespmem:s18], [sflag:$0x1], $0x80, s29, s17, $0xb8;
	[tilespmem:$0x1E100] =	vst v63  }
0xcb: {  	_ =	swait.ge [sflag:s20], $0x4000  }
0xcc: {  	[sflag:s20] =	ssyncset.done $0x0  }
0xcd: {  	s29 =	sadd.s32 $0x100, s28;
	[sflag:s20] =	ssyncadd.s32 $0xFFFFC000  }
0xce: {  	[tilespmem:s18], [sflag:$0x1] =	stream.indirect.gather [hbm4b:s4+s17], $0x80, s29, s17, $0xb8;
	[tilespmem:$0x1E100] =	vst v63  }
0xcf: {  	_ =	swait.ge [sflag:s21], $0x4000  }
.Ltmp6:
0xd0: {  	[sflag:s21] =	ssyncset.done $0x0;
	(pc) =	sbr.rel @p1 .LBB2_3-.Ltmp6, $4  }
0xd1: {  	s28 =	sadd.s32 $0x1480, s28;
	[sflag:s21] =	ssyncadd.s32 $0xFFFFC000  }
0xd2: {  	[spmem:s2] =	stream.indirect.scatter.add.f32 [tilespmem:s19], [sflag:$0x2], $0x80, s28, s17, $0xb8;
	[tilespmem:$0x1E100] =	vst v63  }
0xd3: {  	_ =	swait.ge [sflag:s21], $0x4000  }
0xd4: {  	s29 =	smov.u32 s0;
	s28 =	sshra.s32 s31, $0x2;
	[sflag:s21] =	ssyncset.done $0x0  }
0xd5: {  	s0 =	sadd.s32 $0x80, s28;
	[sflag:s21] =	ssyncadd.s32 $0xFFFFC000  }
0xd6: {  	[tilespmem:s19], [sflag:$0x2] =	stream.indirect.gather [hbm4b:s4+s17], $0x80, s0, s17, $0xb8;
	[tilespmem:$0x1E100] =	vst v63  }
0xd7: {  	_ =	swait.ge [sflag:s20], $0x4000  }
0xd8: {  	[sflag:s20] =	ssyncset.done $0x0  }
0xd9: {  	s30 =	sadd.s32 $0x1400, s28;
	[sflag:s20] =	ssyncadd.s32 $0xFFFFC000  }
0xda: {  	[spmem:s2] =	stream.indirect.scatter.add.f32 [tilespmem:s18], [sflag:$0x1], $0x80, s30, s17, $0xb8;
	[tilespmem:$0x1E100] =	vst v63  }
0xdb: {  	_ =	swait.ge [sflag:s20], $0x4000  }
0xdc: {  	[sflag:s20] =	ssyncset.done $0x0  }
0xdd: {  	s31 =	sadd.s32 $0x100, s28;
	[sflag:s20] =	ssyncadd.s32 $0xFFFFC000  }
0xde: {  	[tilespmem:s18], [sflag:$0x1] =	stream.indirect.gather [hbm4b:s4+s17], $0x80, s31, s17, $0xb8;
	[tilespmem:$0x1E100] =	vst v63  }
0xdf: {  	_ =	swait.ge [sflag:s21], $0x4000  }
0xe0: {  	[sflag:s21] =	ssyncset.done $0x0  }
0xe1: {  	s30 =	sadd.s32 $0x1480, s28;
	[sflag:s21] =	ssyncadd.s32 $0xFFFFC000  }
0xe2: {  	[spmem:s2] =	stream.indirect.scatter.add.f32 [tilespmem:s19], [sflag:$0x2], $0x80, s30, s17, $0xb8;
	[tilespmem:$0x1E100] =	vst v63  }
0xe3: {  	_ =	swait.ge [sflag:s21], $0x4000  }
0xe4: {  	[sflag:s21] =	ssyncset.done $0x0  }
0xe5: {  	[sflag:s21] =	ssyncadd.s32 $0xFFFFC000  }
0xe6: {  	[tilespmem:s19], [sflag:$0x2] =	stream.indirect.gather [hbm4b:s4+s17], $0x80, s22, s17, $0xb8;
	[tilespmem:$0x1E100] =	vst v63  }
0xe7: {  	_ =	swait.ge [sflag:s20], $0x4000  }
0xe8: {  	[sflag:s20] =	ssyncset.done $0x0  }
0xe9: {  	[sflag:s20] =	ssyncadd.s32 $0xFFFFC000  }
0xea: {  	[spmem:s2] =	stream.indirect.scatter.add.f32 [tilespmem:s18], [sflag:$0x1], $0x80, s23, s17, $0xb8;
	[tilespmem:$0x1E100] =	vst v63  }
0xeb: {  	_ =	swait.ge [sflag:s20], $0x4000  }
0xec: {  	[sflag:s20] =	ssyncset.done $0x0  }
0xed: {  	[sflag:s20] =	ssyncadd.s32 $0xFFFFC000  }
0xee: {  	_ =	swait.ge [sflag:s21], $0x4000  }
0xef: {  	[sflag:s21] =	ssyncset.done $0x0  }
0xf0: {  	[sflag:s21] =	ssyncadd.s32 $0xFFFFC000  }
0xf1: {  	[spmem:s2] =	stream.indirect.scatter.add.f32 [tilespmem:s19], [sflag:$0x2], $0x80, s24, s17, $0xb8;
	[tilespmem:$0x1E100] =	vst v63  }
0xf2: {  	_ =	swait.ge [sflag:s21], $0x4000  }
0xf3: {  	[sflag:s21] =	ssyncset.done $0x0  }
0xf4: {  	s31 =	simm.s32 $0x0;
	[sflag:s21] =	ssyncadd.s32 $0xFFFFC000  }
0xf5: {  	[tilespmem:s31], [sflag:$0x3] =	stream.linear.gather [hbm4b:s25+s31], $0x1400, $0x38;
	[tilespmem:$0x1E100] =	vst v63  }
0xf6: {  	_ =	swait.ge [sflag:s15], $0x1400  }
0xf7: {  	[sflag:s15] =	ssyncset.done $0x0  }
0xf8: {  	s28 =	sadd.s32 $0x280, s12;
	[sflag:s15] =	ssyncadd.s32 $0xFFFFEC00  }
0xf9: {  	[tilespmem:s16], [sflag:$0x3] =	stream.linear.gather [hbm4b:s28+s31], $0x1400, $0x38;
	[tilespmem:$0x1E100] =	vst v63  }
0xfa: {  	_ =	swait.ge [sflag:s15], $0x1400  }
0xfb: {  	[sflag:s15] =	ssyncset.done $0x0  }
0xfc: {  	[sflag:s15] =	ssyncadd.s32 $0xFFFFEC00  }
0xfd: {  	[tilespmem:s18], [sflag:$0x1] =	stream.indirect.gather [hbm4b:s4+s17], $0x80, s31, s17, $0xb8;
	[tilespmem:$0x1E100] =	vst v63  }
0xfe: {  	s30 =	simm.s32 $0x80  }
0xff: {  	[tilespmem:s19], [sflag:$0x2] =	stream.indirect.gather [hbm4b:s4+s17], $0x80, s30, s17, $0xb8;
	[tilespmem:$0x1E100] =	vst v63  }
0x100: {  	_ =	swait.ge [sflag:s20], $0x4000  }
0x101: {  	[sflag:s20] =	ssyncset.done $0x0  }
0x102: {  	s31 =	simm.s32 $0x1400;
	[sflag:s20] =	ssyncadd.s32 $0xFFFFC000  }
0x103: {  	[spmem:s2] =	stream.indirect.scatter.add.f32 [tilespmem:s18], [sflag:$0x1], $0x80, s31, s17, $0xb8;
	[tilespmem:$0x1E100] =	vst v63  }
0x104: {  	_ =	swait.ge [sflag:s20], $0x4000  }
0x105: {  	[sflag:s20] =	ssyncset.done $0x0  }
0x106: {  	s30 =	simm.s32 $0x100;
	[sflag:s20] =	ssyncadd.s32 $0xFFFFC000  }
0x107: {  	[tilespmem:s18], [sflag:$0x1] =	stream.indirect.gather [hbm4b:s4+s17], $0x80, s30, s17, $0xb8;
	[tilespmem:$0x1E100] =	vst v63  }
0x108: {  	_ =	swait.ge [sflag:s21], $0x4000  }
0x109: {  	[sflag:s21] =	ssyncset.done $0x0  }
0x10a: {  	s31 =	simm.s32 $0x1480;
	[sflag:s21] =	ssyncadd.s32 $0xFFFFC000  }
0x10b: {  	[spmem:s2] =	stream.indirect.scatter.add.f32 [tilespmem:s19], [sflag:$0x2], $0x80, s31, s17, $0xb8;
	[tilespmem:$0x1E100] =	vst v63  }
0x10c: {  	_ =	swait.ge [sflag:s21], $0x4000  }
0x10d: {  	s29 =	simm.s32 $0x800;
	s28 =	simm.s32 $0x100;
	[sflag:s21] =	ssyncset.done $0x0  }
.LBB2_5:
0x10e: {  	s0 =	sadd.s32 $0x80, s28  }
0x10f: {  	[sflag:s21] =	ssyncadd.s32 $0xFFFFC000;
	s30 =	smov.u32 s29;
	s31 =	sadd.s32 $0x400, s29  }
0x110: {  	[tilespmem:s19], [sflag:$0x2] =	stream.indirect.gather [hbm4b:s4+s17], $0x80, s0, s17, $0xb8;
	[tilespmem:$0x1E100] =	vst v63  }
0x111: {  	p1 =	seq.s32 s29, $0x4800;
	_ =	swait.ge [sflag:s20], $0x4000  }
0x112: {  	[sflag:s20] =	ssyncset.done $0x0  }
0x113: {  	s0 =	sadd.s32 $0x1400, s28;
	[sflag:s20] =	ssyncadd.s32 $0xFFFFC000  }
0x114: {  	[spmem:s2] =	stream.indirect.scatter.add.f32 [tilespmem:s18], [sflag:$0x1], $0x80, s0, s17, $0xb8;
	[tilespmem:$0x1E100] =	vst v63  }
0x115: {  	_ =	swait.ge [sflag:s20], $0x4000  }
0x116: {  	[sflag:s20] =	ssyncset.done $0x0  }
0x117: {  	s0 =	sadd.s32 $0x100, s28;
	[sflag:s20] =	ssyncadd.s32 $0xFFFFC000  }
0x118: {  	[tilespmem:s18], [sflag:$0x1] =	stream.indirect.gather [hbm4b:s4+s17], $0x80, s0, s17, $0xb8;
	[tilespmem:$0x1E100] =	vst v63  }
0x119: {  	_ =	swait.ge [sflag:s21], $0x4000  }
.Ltmp7:
0x11a: {  	[sflag:s21] =	ssyncset.done $0x0;
	(pc) =	sbr.rel @!p1 .LBB2_5-.Ltmp7, $4  }
0x11b: {  	s0 =	sadd.s32 $0x1480, s28;
	[sflag:s21] =	ssyncadd.s32 $0xFFFFC000  }
0x11c: {  	[spmem:s2] =	stream.indirect.scatter.add.f32 [tilespmem:s19], [sflag:$0x2], $0x80, s0, s17, $0xb8;
	[tilespmem:$0x1E100] =	vst v63  }
0x11d: {  	_ =	swait.ge [sflag:s21], $0x4000  }
0x11e: {  	s29 =	smov.u32 s31;
	s28 =	sshra.s32 s30, $0x2;
	[sflag:s21] =	ssyncset.done $0x0  }
0x11f: {  	s0 =	sadd.s32 $0x80, s28;
	[sflag:s21] =	ssyncadd.s32 $0xFFFFC000  }
0x120: {  	[tilespmem:s19], [sflag:$0x2] =	stream.indirect.gather [hbm4b:s4+s17], $0x80, s0, s17, $0xb8;
	[tilespmem:$0x1E100] =	vst v63  }
0x121: {  	_ =	swait.ge [sflag:s20], $0x4000  }
0x122: {  	[sflag:s20] =	ssyncset.done $0x0  }
0x123: {  	s31 =	sadd.s32 $0x1400, s28;
	[sflag:s20] =	ssyncadd.s32 $0xFFFFC000  }
0x124: {  	[spmem:s2] =	stream.indirect.scatter.add.f32 [tilespmem:s18], [sflag:$0x1], $0x80, s31, s17, $0xb8;
	[tilespmem:$0x1E100] =	vst v63  }
0x125: {  	_ =	swait.ge [sflag:s20], $0x4000  }
0x126: {  	[sflag:s20] =	ssyncset.done $0x0  }
0x127: {  	s30 =	sadd.s32 $0x100, s28;
	[sflag:s20] =	ssyncadd.s32 $0xFFFFC000  }
0x128: {  	[tilespmem:s18], [sflag:$0x1] =	stream.indirect.gather [hbm4b:s4+s17], $0x80, s30, s17, $0xb8;
	[tilespmem:$0x1E100] =	vst v63  }
0x129: {  	_ =	swait.ge [sflag:s21], $0x4000  }
0x12a: {  	[sflag:s21] =	ssyncset.done $0x0  }
.Ltmp8:
0x12b: {  	s31 =	sadd.s32 $0x1480, s28;
	[sflag:s21] =	ssyncadd.s32 $0xFFFFC000;
	(pc) =	sbr.rel .LBB2_12-.Ltmp8, $4  }
0x12c: {  	[spmem:s2] =	stream.indirect.scatter.add.f32 [tilespmem:s19], [sflag:$0x2], $0x80, s31, s17, $0xb8;
	[tilespmem:$0x1E100] =	vst v63  }
0x12d: {  	_ =	swait.ge [sflag:s21], $0x4000  }
0x12e: {  	[sflag:s21] =	ssyncset.done $0x0  }
0x12f: {  	s29 =	smov.u32 s4;
	s28 =	smov.u32 s6;
	[sflag:s21] =	ssyncadd.s32 $0xFFFFC000  }
.LBB2_13:
0x130: {  	_ =	sfence.sel $0x180000  }
0x131: {  	[bflag:$0x0] =	sbarrier.arrive $0xFFFF  }
0x132: {  	_ =	strace $0x9000004A  }
0x133: {  	[bflag:$0x2] =	sbarrier.arrive $0xFFFF  }
0x134: {  	p0 =	sne.s32 s1, $0x0;
	s0 =	rddreg [dreg:$0x3]  }
0x135: {  	s0 =	sadd.s32 @!p0 $0x100000, s0  }
0x136: {  	[sflag:s0] =	ssyncadd.tile.s32 @!p0 $0x1;
	_ =	shalt  }
.Lfunc_end2:
_tile_overlayer_lowered:
.L_overlay_start_2:
0x137: {  	(tag) =	ssettag $0x2  }
0x138: {  	s0 =	rddreg [dreg:$0x0];
	s2 =	stileid.u32  }
0x139: {  	s1 =	rddreg [dreg:$0x1];
	p0 =	sne.s32 s2, $0x0  }
0x13a: {  	s3 =	rddreg [dreg:$0x2];
	[bflag:$0x3] =	sbarrier.arrive $0xFFFF;
	s2 =	simm.s32 @!p0 $0x1C03  }
0x13b: {  	[timem:s3], [sflag:s2] =	dma.local @!p0 [hbm:s0], s1  }
0x13c: {  	s0 =	simm.s32 @!p0 $0x3  }
0x13d: {  	_ =	swait.ge @!p0 [sflag:s0], s1  }
0x13e: {  	s1 =	ssub.s32 @!p0 $0x0, s1;
	[sflag:s0] =	ssyncset.done @!p0 $0x0  }
0x13f: {  	[sflag:s0] =	ssyncadd.s32 @!p0 s1  }
0x140: {  	[bflag:$0x3] =	sbarrier.arrive $0xFFFF  }
0x141: {  	_ =	shalt  }

// kernel: kernel.8.cloned.1.call-start
scs
__scs_entry_jumppad:
0x0: {  	(pc) =	sbr.rel $0x88, $3  }
0x1: {  	(tag) =	ssettag $0x0;
	lr =	simm.s32 $0x1  }
0x2: {  	[smem:$0x3F9D] =	sst lr;
	_ =	strace $0xD0000000  }
0x3: {  	_ = 	snop  }
0x4: {  	_ = 	snop  }
0x5: {  	_ = 	snop  }
0x6: {  	_ = 	snop  }
0x7: {  	_ = 	snop  }
__scs_overlays_trampoline_lowered:
0x8: {  	[smem:$0x3FAC] =	sst s0  }
0x9: {  	[smem:$0x3FAD] =	sst s1  }
0xa: {  	[smem:$0x3FAE] =	sst s2  }
0xb: {  	[smem:$0x3FAF] =	sst s3  }
0xc: {  	[smem:$0x3FB0] =	sst s4  }
0xd: {  	[smem:$0x3FB1] =	sst s5  }
0xe: {  	[smem:$0x3FB2] =	sst s6  }
0xf: {  	[smem:$0x3FB3] =	sst s7  }
0x10: {  	[smem:$0x3FB4] =	sst s8  }
0x11: {  	[smem:$0x3FB5] =	sst s9;
	s0 =	simm.s32 @!p0 $0x0  }
0x12: {  	s1 =	sld [smem:$0x3F9B];
	s0 =	simm.s32 @p0 $0x1  }
0x13: {  	[smem:$0x3FB6] =	sst s0;
	s0 =	simm.s32 @!p1 $0x0  }
0x14: {  	s2 =	sld [smem:$0x3F9A];
	s0 =	simm.s32 @p1 $0x1  }
0x15: {  	[smem:$0x3FB7] =	sst s0;
	s0 =	simm.s32 @!p2 $0x0  }
0x16: {  	s3 =	sld [smem:$0x3FDB];
	s0 =	simm.s32 @p2 $0x1  }
0x17: {  	s4 =	simm.s32 $0x1BF5;
	[smem:$0x3FB9] =	sst s0  }
0x18: {  	s0 =	sld [smem:$0x3F9C];
	_ =	swait.ge [sflag:s4], $0x0  }
0x19: {  	s7 =	sld [smem:$0x3F9D]  }
0x1a: {  	s8 =	sadd.s32 $0xFFFFE003, lr  }
0x1b: {  	s9 =	sadd.s32 $0xFFFFFEF7, lr;
	s5 =	simm.s32 $0xFFFFFFFF;
	p2 =	slt.u32 s8, $0xFFFFF086  }
0x1c: {  	p1 =	slt.u32 s9, $0xF7A;
	s5 =	simm.s32 @!p2 $0x0  }
0x1d: {  	s5 =	simm.s32 @p1 $0x1;
	p0 =	seq.s32 s7, s2  }
0x1e: {  	s7 =	smul.u32 @!p0 $0xF7A, s2;
	p2 =	seq.s32 @!p0 s5, $0x0  }
0x1f: {  	s9 =	smul.u32 $0xF7A, s1;
	s8 =	simm.s32 @!p0 $0x1BF5;
	p2 =	por !p2, p0  }
0x20: {  	[sflag:s8] =	ssyncset.s32 @!p0 $0xFFFFF086;
	s6 =	sadd.s32 @!p0 s3, s7;
	s7 =	simm.s32 @!p0 $0x108  }
0x21: {  	s3 =	sadd.s32 s3, s9;
	s6 =	sadd.s32 @!p0 $0x88, s6;
	s7 =	simm.s32 @p2 $0x1082  }
0x22: {  	[simem:s7], [sflag:s8] =	dma.local @!p0 [hbm:s6], $0xF7A  }
0x23: {  	s9 =	sor.u32 $0xD0000000, s2;
	s6 =	simm.s32 $0x108;
	_ =	swait.ge @!p0 [sflag:s8], $0x0  }
0x24: {  	s3 =	sadd.s32 $0x88, s3;
	s6 =	simm.s32 @!p1 $0x1082;
	[sflag:s4] =	ssyncset.s32 $0xFFFFF086  }
0x25: {  	[simem:s6], [sflag:s4] =	dma.local [hbm:s3], $0xF7A  }
0x26: {  	[smem:$0x3F9D] =	sst s1;
	(tag) =	ssettag s2;
	_ =	strace s9  }
0x27: {  	s1 =	sld [smem:$0x3FAD]  }
0x28: {  	s2 =	sld [smem:$0x3FAE]  }
0x29: {  	s4 =	sld [smem:$0x3FB0]  }
0x2a: {  	p0 =	seq.s32 s5, $0x0;
	s5 =	sld [smem:$0x3FB1]  }
0x2b: {  	s6 =	sld [smem:$0x3FB2]  }
0x2c: {  	s7 =	sld [smem:$0x3FB3]  }
0x2d: {  	s3 =	simm.s32 $0x108;
	s8 =	sld [smem:$0x3FB4]  }
0x2e: {  	s3 =	simm.s32 @!p0 $0x1082;
	s9 =	sld [smem:$0x3FB5]  }
0x2f: {  	lr =	sadd.s32 s0, s3;
	s0 =	sld [smem:$0x3FAC]  }
0x30: {  	s3 =	sld [smem:$0x3FAF]  }
0x31: {  	[smem:$0x3FB8] =	sst s10  }
0x32: {  	s10 =	sld [smem:$0x3FB6];
	_ =	sdelay $0x3  }
0x33: {  	p0 =	seq.s32 s10, $0x1;
	s10 =	sld [smem:$0x3FB8];
	_ =	sdelay $0x3  }
0x34: {  	[smem:$0x3FB8] =	sst s10  }
0x35: {  	s10 =	sld [smem:$0x3FB7];
	_ =	sdelay $0x3  }
0x36: {  	p1 =	seq.s32 s10, $0x1;
	s10 =	sld [smem:$0x3FB8];
	_ =	sdelay $0x3  }
0x37: {  	[smem:$0x3FB8] =	sst s10  }
0x38: {  	s10 =	sld [smem:$0x3FB9]  }
0x39: {  	_ = 	snop;
	(pc) =	sbr.ind lr, $3  }
0x3a: {  	_ = 	snop  }
0x3b: {  	_ = 	snop  }
0x3c: {  	p2 =	seq.s32 s10, $0x1;
	s10 =	sld [smem:$0x3FB8]  }
0x3d: {  	_ =	shalt  }
0x3e: {  	_ =	shalt  }
0x3f: {  	_ =	shalt  }
0x40: {  	_ =	shalt  }
0x41: {  	_ =	shalt  }
0x42: {  	_ =	shalt  }
0x43: {  	_ =	shalt  }
0x44: {  	_ =	shalt  }
0x45: {  	_ =	shalt  }
0x46: {  	_ =	shalt  }
0x47: {  	_ =	shalt  }
0x48: {  	_ =	shalt  }
0x49: {  	_ =	shalt  }
0x4a: {  	_ =	shalt  }
0x4b: {  	_ =	shalt  }
0x4c: {  	_ =	shalt  }
0x4d: {  	_ =	shalt  }
0x4e: {  	_ =	shalt  }
0x4f: {  	_ =	shalt  }
0x50: {  	_ =	shalt  }
0x51: {  	_ =	shalt  }
0x52: {  	_ =	shalt  }
0x53: {  	_ =	shalt  }
0x54: {  	_ =	shalt  }
0x55: {  	_ =	shalt  }
0x56: {  	_ =	shalt  }
0x57: {  	_ =	shalt  }
0x58: {  	_ =	shalt  }
0x59: {  	_ =	shalt  }
0x5a: {  	_ =	shalt  }
0x5b: {  	_ =	shalt  }
0x5c: {  	_ =	shalt  }
0x5d: {  	_ =	shalt  }
0x5e: {  	_ =	shalt  }
0x5f: {  	_ =	shalt  }
0x60: {  	_ =	shalt  }
0x61: {  	_ =	shalt  }
0x62: {  	_ =	shalt  }
0x63: {  	_ =	shalt  }
0x64: {  	_ =	shalt  }
0x65: {  	_ =	shalt  }
0x66: {  	_ =	shalt  }
0x67: {  	_ =	shalt  }
0x68: {  	_ =	shalt  }
0x69: {  	_ =	shalt  }
0x6a: {  	_ =	shalt  }
0x6b: {  	_ =	shalt  }
0x6c: {  	_ =	shalt  }
0x6d: {  	_ =	shalt  }
0x6e: {  	_ =	shalt  }
0x6f: {  	_ =	shalt  }
0x70: {  	_ =	shalt  }
0x71: {  	_ =	shalt  }
0x72: {  	_ =	shalt  }
0x73: {  	_ =	shalt  }
0x74: {  	_ =	shalt  }
0x75: {  	_ =	shalt  }
0x76: {  	_ =	shalt  }
0x77: {  	_ =	shalt  }
0x78: {  	_ =	shalt  }
0x79: {  	_ =	shalt  }
0x7a: {  	_ =	shalt  }
0x7b: {  	_ =	shalt  }
0x7c: {  	_ =	shalt  }
0x7d: {  	_ =	shalt  }
0x7e: {  	_ =	shalt  }
0x7f: {  	_ =	shalt  }
0x80: {  	_ =	shalt  }
0x81: {  	_ =	shalt  }
0x82: {  	_ =	shalt  }
0x83: {  	_ =	shalt  }
0x84: {  	_ =	shalt  }
0x85: {  	_ =	shalt  }
0x86: {  	_ =	shalt  }
0x87: {  	_ =	shalt  }
.Lfunc_end0:
.L_simem_size_0:
called_computation_lowered:
.L_overlay_start_0:
0x88: {  	s2 =	sld [smem:$0x3FD9]  }
0x89: {  	s3 =	sld [smem:$0x3FFE];
	_ =	sdelay $0x1  }
0x8a: {  	s1 =	srdreg.scid  }
0x8b: {  	s0 =	sand.u32 $0x1, s1  }
0x8c: {  	s16 =	sshll.u32 s0, $0xA;
	s2 =	sadd.s32 s3, s2  }
0x8d: {  	s2 =	sadd.s32 s2, s16  }
0x8e: {  	[smem:$0x3FC4] =	sst s2  }
0x8f: {  	_ = 	snop  }
0x90: {  	(tm) =	ssettm $0x1  }
0x91: {  	s17 =	sld [smem:$0x3FFB];
	_ =	sdelay $0x3  }
0x92: {  	_ =	strace s17  }
0x93: {  	s2 =	sld [smem:$0x3FFC];
	_ =	sdelay $0x3  }
0x94: {  	_ =	strace s2  }
0x95: {  	s2 =	sld [smem:$0x3FFD];
	_ =	sdelay $0x3  }
0x96: {  	_ =	strace s2  }
0x97: {  	_ =	strace $0x8FFFFFFF  }
0x98: {  	s18 =	sld [smem:$0x3FDB];
	_ =	sdelay $0x1  }
0x99: {  	s19 =	simm.s32 $_scs_section_size  }
0x9a: {  	s4 =	simm.s32 $_size__tile_overlayer_lowered;
	s5 =	simm.s32 $_tile_overlayer_lowered  }
0x9b: {  	s22 =	simm.s32 $0x1BFF;
	s21 =	sshll.u32 s5, $0x1;
	s2 =	sadd.s32 s19, s18  }
0x9c: {  	s6 =	simm.s32 $0x0;
	s20 =	sshll.u32 s4, $0x1;
	s4 =	sadd.s32 s21, s2  }
0x9d: {  	[timem:s6], [sflag:s22] =	dma.local [hbm:s4], s20  }
0x9e: {  	_ =	swait.ge [sflag:s22], s20  }
0x9f: {  	s3 =	ssub.s32 $0x0, s20;
	[sflag:s22] =	ssyncset.done $0x0  }
0xa0: {  	[sflag:s22] =	ssyncadd.s32 s3;
	_ =	sdelay $0x1  }
0xa1: {  	s23 =	simm.s32 $0x1B8B  }
0xa2: {  	_ =	swait.ge [sflag:s23], $0x1  }
0xa3: {  	[sflag:s23] =	ssyncset.done $0x0  }
0xa4: {  	s25 =	simm.s32 $0x1B8E;
	s24 =	sld [smem:$0x3FFE];
	[sflag:s23] =	ssyncadd.s32 $0xFFFFFFFF  }
0xa5: {  	s26 =	simm.s32 $execute0_lowered;
	[smem:$0x3FD2] =	sst s25  }
0xa6: {  	s4 =	sshll.u32 s26, $0x1;
	_ =	strace $0x80000046;
	[dreg:$0x1] =	wrdreg $0xFFFFFFFF  }
0xa7: {  	s28 =	simm.s32 $_size_execute0_lowered;
	s2 =	sadd.s32 s2, s4;
	[dreg:$0x0] =	wrdreg $0x0  }
0xa8: {  	s4 =	sshll.u32 s28, $0x1;
	[dreg:$0x2] =	wrdreg s2  }
0xa9: {  	[dreg:$0x3] =	wrdreg s4  }
0xaa: {  	[dreg:$0x4] =	wrdreg $0xC0  }
0xab: {  	_ =	task [dreg:s6], $0x5FFFF  }
0xac: {  	[dreg:$0x1] =	wrdreg $0xFFFFFFFF  }
0xad: {  	[dreg:$0x0] =	wrdreg $0x60  }
0xae: {  	[dreg:$0x2] =	wrdreg s24  }
0xaf: {  	[dreg:$0x3] =	wrdreg $0x9  }
0xb0: {  	_ =	task.clear_ibuf [dreg:s6], $0x4FFFF;
	_ =	strace $0x90000046  }
0xb1: {  	s29 =	simm.s32 $0x9;
	_ =	strace $0x80000048  }
0xb2: {  	_ =	swait.ge [sflag:s29], $0x1  }
0xb3: {  	[sflag:s29] =	ssyncadd.s32 $0xFFFFFFFF  }
0xb4: {  	_ =	strace $0x90000048  }
0xb5: {  	_ =	sfence  }
0xb6: {  	s30 =	sld [smem:$0x0];
	_ =	sdelay $0x2  }
0xb7: {  	s31 =	sshll.u32 s1, $0xD;
	s1 =	sshrl.u32 s1, $0x2  }
0xb8: {  	s3 =	sand.u32 $0x4000, s31;
	s1 =	sadd.s32 s1, s30  }
0xb9: {  	s0 =	sor.u32 s3, s0;
	s1 =	sshll.u32 s1, $0x11  }
0xba: {  	s0 =	sor.u32 s1, s0  }
0xbb: {  	s0 =	sadd.s32 $0x8F2B, s0  }
0xbc: {  	[sflag:s0] =	ssyncadd.remote.s32 $0x1  }
0xbd: {  	_ =	sfence.sel $0xFFFF  }
0xbe: {  	[dreg:$0x0] =	wrdreg $0xFFFFFFFF;
	(pc) =	sbr.abs _section_cstart, $3  }
0xbf: {  	[dreg:$0x1] =	wrdreg $0xFFFFFFFF  }
0xc0: {  	_ =	task.clear_ibuf [dreg:s6], $0x2FFFF;
	_ =	strace $0x9FFFFFFF  }
0xc1: {  	(tm) =	ssettm $0x7FFFFFFF  }
tec
execute0_lowered:
.L_overlay_start_1:
0x0: {  	(tag) =	ssettag $0x1  }
0x1: {  	s3 =	rddreg [dreg:$0x0]  }
0x2: {  	s0 =	rddreg [dreg:$0x1];
	s1 =	simm.s32 $0x0;
	s2 =	stileid.u32  }
0x3: {  	s26 =	srdreg.scid;
	[smem:$0x7FF] =	sst s1  }
0x4: {  	s4 =	sadd.s32 $0x7200, s3;
	s5 =	sadd.s32 $0x2200, s3;
	s6 =	sadd.s32 $0xC200, s3  }
0x5: {  	s7 =	sadd.s32 $0x11200, s3;
	s8 =	sshrl.u32 s2, $0x3;
	s3 =	sand.u32 $0x1, s26  }
0x6: {  	s9 =	sshll.u32 s2, $0x7;
	s30 =	smul.u32 $0x500, s2;
	_ =	strace $0x80000047  }
0x7: {  	s8 =	smul.u32 $0x14000, s8;
	s10 =	ssub.s32 $0x2, s3;
	p0 =	seq.s32 s3, $0x0  }
0x8: {  	s28 =	sand.u32 $0x380, s9;
	s29 =	sshrl.u32 s10, $0x1;
	s5 =	smov.u32 @p0 s4  }
0x9: {  	s7 =	smov.u32 @p0 s6;
	s6 =	simm.s32 $0x1;
	s3 =	sor.u32 s28, s8  }
0xa: {  	s9 =	ssub.s32 s10, s29;
	s4 =	sadd.s32 s5, s30;
	s8 =	simm.s32 $0x80  }
0xb: {  	s10 =	simm.s32 $0x0;
	s31 =	sshrl.u32 s3, $0x3;
	s3 =	smax.u32 s9, $0x1  }
0xc: {  	v0 =	vimm.s32 $0x0;
	v1 =	vimm.s32 $0x1;
	s9 =	simm.s32 $0x400;
	s5 =	sadd.s32 s7, s31;
	s7 =	simm.s32 $0x2800  }
.LBB2_1:
0xd: {  	[tilespmem:s1], [sflag:$0x1] =	stream.linear.gather [hbm4b:s4+s1], $0x2800, $0x38;
	[tilespmem:$0x5000] =	vst v63  }
0xe: {  	_ =	swait.ge [sflag:s6], $0x2800  }
0xf: {  	[sflag:s6] =	ssyncset.done $0x0  }
0x10: {  	s11 =	simm.s32 $0x0;
	[sflag:s6] =	ssyncadd.s32 $0xFFFFD800  }
.LBB2_2:
0x11: {  	p0 =	sne.s32 s11, $0x9FC0  }
.Ltmp0:
0x12: {  	_ = 	snop;
	(pc) =	sbr.rel @p0 .LBB2_2-.Ltmp0, $3  }
0x13: {  	_ =	sdelay $0x1  }
0x14: {  	s12 =	sshra.s32 s11, $0x2  }
0x15: {  	s11 =	sadd.s32 $0x40, s11;
	[tilespmem:s12+$0x2800] =	vst v0  }
0x16: {  	s11 =	simm.s32 $0x1C0  }
.LBB2_4:
0x17: {  	s12 =	sshra.s32 s11, $0x2  }
0x18: {  	v2 =	vld [tilespmem:s12+$0xFFFFFF90];
	_ =	sdelay $0x7  }
0x19: {  	[tilespmem:v2+s7+$0x0] =	vst.idx.add.s32.msk $0xffff, v1  }
0x1a: {  	v2 =	vld [tilespmem:s12+$0xFFFFFFA0];
	_ =	sdelay $0x7  }
0x1b: {  	[tilespmem:v2+s7+$0x0] =	vst.idx.add.s32.msk $0xffff, v1  }
0x1c: {  	v2 =	vld [tilespmem:s12+$0xFFFFFFB0];
	_ =	sdelay $0x7  }
0x1d: {  	[tilespmem:v2+s7+$0x0] =	vst.idx.add.s32.msk $0xffff, v1  }
0x1e: {  	v2 =	vld [tilespmem:s12+$0xFFFFFFC0];
	_ =	sdelay $0x7  }
0x1f: {  	[tilespmem:v2+s7+$0x0] =	vst.idx.add.s32.msk $0xffff, v1  }
0x20: {  	v2 =	vld [tilespmem:s12+$0xFFFFFFD0];
	_ =	sdelay $0x7  }
0x21: {  	[tilespmem:v2+s7+$0x0] =	vst.idx.add.s32.msk $0xffff, v1  }
0x22: {  	v2 =	vld [tilespmem:s12+$0xFFFFFFE0];
	_ =	sdelay $0x7  }
0x23: {  	[tilespmem:v2+s7+$0x0] =	vst.idx.add.s32.msk $0xffff, v1  }
0x24: {  	v2 =	vld [tilespmem:s12+$0xFFFFFFF0];
	_ =	sdelay $0x7  }
0x25: {  	[tilespmem:v2+s7+$0x0] =	vst.idx.add.s32.msk $0xffff, v1  }
0x26: {  	v2 =	vld [tilespmem:s12+$0x0];
	_ =	sdelay $0x2  }
0x27: {  	p0 =	sne.s32 s11, $0x9FC0  }
.Ltmp1:
0x28: {  	_ = 	snop;
	(pc) =	sbr.rel @p0 .LBB2_4-.Ltmp1, $2  }
0x29: {  	_ =	sdelay $0x2  }
0x2a: {  	s11 =	sadd.s32 $0x200, s11;
	[tilespmem:v2+s7+$0x0] =	vst.idx.add.s32.msk $0xffff, v1  }
0x2b: {  	s10 =	sadd.s32 $0x1, s10  }
0x2c: {  	p0 =	sne.s32 s10, s3  }
.Ltmp2:
0x2d: {  	_ = 	snop;
	(pc) =	sbr.rel @p0 .LBB2_1-.Ltmp2, $4  }
0x2e: {  	[hbm4b:s5+s8] =	stream.strided.scatter [tilespmem:s7], [sflag:$0x1], $0x2800, s9, s8, $0x38;
	[tilespmem:$0x5000] =	vst v63  }
0x2f: {  	_ =	swait.ge [sflag:s6], $0x2800  }
0x30: {  	[sflag:s6] =	ssyncset.done $0x0  }
0x31: {  	[sflag:s6] =	ssyncadd.s32 $0xFFFFD800  }
0x32: {  	_ =	sfence.sel $0x180000  }
0x33: {  	[bflag:$0x0] =	sbarrier.arrive $0xFFFF  }
0x34: {  	p0 =	sne.s32 s2, $0x0;
	_ =	strace $0x90000047  }
0x35: {  	s0 =	sadd.s32 @!p0 $0x100000, s0;
	[bflag:$0x2] =	sbarrier.arrive $0xFFFF  }
0x36: {  	[sflag:s0] =	ssyncadd.tile.s32 @!p0 $0x1;
	_ =	shalt  }
.Lfunc_end2:
_tile_overlayer_lowered:
.L_overlay_start_2:
0x37: {  	(tag) =	ssettag $0x2  }
0x38: {  	s0 =	rddreg [dreg:$0x0];
	s2 =	stileid.u32  }
0x39: {  	s1 =	rddreg [dreg:$0x1];
	p0 =	sne.s32 s2, $0x0  }
0x3a: {  	s3 =	rddreg [dreg:$0x2];
	[bflag:$0x3] =	sbarrier.arrive $0xFFFF;
	s2 =	simm.s32 @!p0 $0x1C01  }
0x3b: {  	[timem:s3], [sflag:s2] =	dma.local @!p0 [hbm:s0], s1  }
0x3c: {  	s0 =	simm.s32 @!p0 $0x1  }
0x3d: {  	_ =	swait.ge @!p0 [sflag:s0], s1  }
0x3e: {  	s1 =	ssub.s32 @!p0 $0x0, s1;
	[sflag:s0] =	ssyncset.done @!p0 $0x0  }
0x3f: {  	[sflag:s0] =	ssyncadd.s32 @!p0 s1  }
0x40: {  	[bflag:$0x3] =	sbarrier.arrive $0xFFFF  }
0x41: {  	_ =	shalt  }

</sc_bundles>
